<compile_context>
chip_gen: v7x
topology: tpu7x:2x2x1
jax: 0.10.2.dev20260603
libtpu: 0.0.44.dev20260713+nightly
codegen_flags: <defaults>
</compile_context>

<pallas_src>
import functools
import math

import jax
import jax.numpy as jnp
from jax import lax
from jax.experimental import pallas as pl
from jax.experimental.pallas import tpu as pltpu
from jax.experimental.pallas import tpu_sc as plsc

D_MODEL = 64
SCALE = math.sqrt(D_MODEL)
NUM_CORES = 2
NUM_SUBCORES = 16
NUM_WORKERS = NUM_CORES * NUM_SUBCORES
CHUNK = 320


@functools.partial(jax.jit, static_argnames=("b_total",))
def _embed(idx_flat, table, b_total):
    b_per_w = b_total // NUM_WORKERS
    n_chunks = b_per_w // CHUNK
    assert n_chunks % 2 == 0
    mesh = plsc.VectorSubcoreMesh(core_axis_name="c", subcore_axis_name="s")

    @functools.partial(
        pl.kernel,
        mesh=mesh,
        out_type=jax.ShapeDtypeStruct((b_total, D_MODEL), jnp.float32),
        scratch_types=[
            pltpu.VMEM((b_per_w,), jnp.int32),
            pltpu.VMEM((CHUNK, D_MODEL), jnp.float32),
            pltpu.VMEM((CHUNK, D_MODEL), jnp.float32),
            pltpu.VMEM((CHUNK, D_MODEL), jnp.float32),
            pltpu.VMEM((CHUNK, D_MODEL), jnp.float32),
            pltpu.SemaphoreType.DMA,
            pltpu.SemaphoreType.DMA,
            pltpu.SemaphoreType.DMA,
            pltpu.SemaphoreType.DMA,
        ],
        compiler_params=pltpu.CompilerParams(use_tc_tiling_on_sc=False),
    )
    def k(idx_hbm, table_hbm, out_hbm, idx_v, gbuf0, gbuf1, obuf0, obuf1,
          gsem0, gsem1, ssem0, ssem1):
        wid = lax.axis_index("s") * NUM_CORES + lax.axis_index("c")
        base = wid * b_per_w
        gbufs = (gbuf0, gbuf1)
        obufs = (obuf0, obuf1)
        gsems = (gsem0, gsem1)
        ssems = (ssem0, ssem1)

        pltpu.sync_copy(idx_hbm.at[pl.ds(base, b_per_w)], idx_v)

        def fire_gather(chunk_id, b):
            off = chunk_id * CHUNK
            pltpu.async_copy(
                table_hbm.at[idx_v.at[pl.ds(off, CHUNK)]], gbufs[b], gsems[b]
            )

        fire_gather(0, 0)
        fire_gather(1, 1)

        @pl.loop(0, n_chunks, step=2)
        def _(go):
            for b in range(2):
                g = go + b
                pltpu.make_async_copy(
                    table_hbm.at[idx_v.at[pl.ds(g * CHUNK, CHUNK)]],
                    gbufs[b], gsems[b],
                ).wait()
                @pl.when(go >= 2)
                def _():
                    pltpu.make_async_copy(
                        obufs[b],
                        out_hbm.at[pl.ds(base + (g - 2) * CHUNK, CHUNK)],
                        ssems[b],
                    ).wait()

                @plsc.parallel_loop(0, CHUNK, 1, unroll=8)
                def _(r):
                    for j in range(D_MODEL // 16):
                        sl = (r, pl.ds(j * 16, 16))
                        obufs[b][sl] = gbufs[b][sl] * SCALE

                pltpu.async_copy(
                    obufs[b],
                    out_hbm.at[pl.ds(base + g * CHUNK, CHUNK)],
                    ssems[b],
                )
                nxt = jnp.minimum(g + 2, n_chunks - 1)
                fire_gather(nxt, b)

        for b in range(2):
            g = n_chunks - 2 + b
            pltpu.make_async_copy(
                obufs[b],
                out_hbm.at[pl.ds(base + g * CHUNK, CHUNK)],
                ssems[b],
            ).wait()
            pltpu.make_async_copy(
                table_hbm.at[idx_v.at[pl.ds(g * CHUNK, CHUNK)]],
                gbufs[b], gsems[b],
            ).wait()

    return k(idx_flat, table)


def kernel(x, table):
    b_total = x.shape[0] * x.shape[1]
    idx_flat = x.reshape(-1).astype(jnp.int32)
    out = _embed(idx_flat, table, b_total)
    return out.reshape(x.shape[0], x.shape[1], D_MODEL)

# --- scband reference (transcript-rebuilt; emitter-appended) ---
"""Pipeline reference for scband-input-embedding-59021440582356 (READ-ONLY COPY).

The authoritative reference and input builder live on the scoring server;
editing this copy changes nothing except your own understanding.
"""

import jax, jax.numpy as jnp
import numpy as np
import math

VOCAB_SIZE = 1000000
D_MODEL = 64

def setup_inputs(seed: int = 0) -> dict:
    key = jax.random.key(seed)
    k1, k2 = jax.random.split(key)
    x = jax.random.randint(k1, (4096, 200), 0, VOCAB_SIZE, dtype=jnp.int64 if jax.config.jax_enable_x64 else jnp.int32)
    table = jax.random.normal(k2, (VOCAB_SIZE, D_MODEL), dtype=jnp.float32)
    return {"x": x, "table": table}

def reference(x, table):
    # InputEmbedding.forward: embedding lookup scaled by sqrt(d_model)
    emb = jnp.take(table, x, axis=0)
    return emb * math.sqrt(D_MODEL)

if __name__ == "__main__":
    import jax
    _d = setup_inputs()
    print(jax.jit(kernel)(*tuple(_d.values())))

</pallas_src>

<mosaic_0001>
#map = affine_map<(d0, d1) -> (0)>
#map1 = affine_map<(d0, d1) -> (0, 0)>
module attributes {stable_mosaic.version = 14 : i64} {
  func.func @k(%arg0: i32, %arg1: i32, %arg2: memref<819200xi32, #tpu.memory_space<hbm>>, %arg3: memref<1000000x64xf32, #tpu.memory_space<hbm>>, %arg4: memref<819200x64xf32, #tpu.memory_space<hbm>>, %arg5: memref<25600xi32, #tpu.memory_space<vmem>>, %arg6: memref<320x64xf32, #tpu.memory_space<vmem>>, %arg7: memref<320x64xf32, #tpu.memory_space<vmem>>, %arg8: memref<320x64xf32, #tpu.memory_space<vmem>>, %arg9: memref<320x64xf32, #tpu.memory_space<vmem>>, %arg10: memref<!tpu.dma_semaphore, #tpu.memory_space<semaphore_mem>>, %arg11: memref<!tpu.dma_semaphore, #tpu.memory_space<semaphore_mem>>, %arg12: memref<!tpu.dma_semaphore, #tpu.memory_space<semaphore_mem>>, %arg13: memref<!tpu.dma_semaphore, #tpu.memory_space<semaphore_mem>>) attributes {dimension_semantics = [#tpu.dimension_semantics<core_parallel>, #tpu.dimension_semantics<subcore_parallel>], iteration_bounds = array<i64: 2, 16>, scalar_prefetch = 0 : i64, scratch_operands = 9 : i64, tpu.core_type = #tpu.core_type<sc_vector_subcore>, window_params = [{transform_indices = #map}, {transform_indices = #map1}, {transform_indices = #map1}]} {
    %mul3A = arith.constant 2 : i32
    %mul3A_0 = arith.muli %arg1, %mul3A : i32
    %add3A = arith.addi %mul3A_0, %arg0 : i32
    %mul3A_1 = arith.constant 25600 : i32
    %mul3A_2 = arith.muli %add3A, %mul3A_1 : i32
    "tpu.region"() ({
      %run_scoped3A = tpu.sem_alloc : memref<!tpu.dma_semaphore, #tpu.memory_space<semaphore_mem>>
      %dma_start3A_37 = tpu.memref_slice %arg2[%mul3A_2] : memref<819200xi32, #tpu.memory_space<hbm>> -> memref<25600xi32, #tpu.memory_space<hbm>>
      %dma_start3A_38 = tpu.memref_slice %arg2[%mul3A_2] : memref<819200xi32, #tpu.memory_space<hbm>> -> memref<25600xi32, #tpu.memory_space<hbm>>
      tpu.enqueue_dma source(%dma_start3A_38 : memref<25600xi32, #tpu.memory_space<hbm>>) target(%arg5 : memref<25600xi32, #tpu.memory_space<vmem>>) target_semaphore(%run_scoped3A : memref<!tpu.dma_semaphore, #tpu.memory_space<semaphore_mem>>)
      %dma_wait3A_39 = tpu.memref_slice %arg2[%mul3A_2] : memref<819200xi32, #tpu.memory_space<hbm>> -> memref<25600xi32, #tpu.memory_space<hbm>>
      %dma_wait3A_40 = tpu.memref_slice %arg2[%mul3A_2] : memref<819200xi32, #tpu.memory_space<hbm>> -> memref<25600xi32, #tpu.memory_space<hbm>>
      tpu.wait_dma2 semaphore(%run_scoped3A : memref<!tpu.dma_semaphore, #tpu.memory_space<semaphore_mem>>) src(%dma_wait3A_40 : memref<25600xi32, #tpu.memory_space<hbm>>) dst(%arg5 : memref<25600xi32, #tpu.memory_space<vmem>>)
      tpu.yield
    }) : () -> ()
    %dma_start3A = arith.constant 0 : i32
    %dma_start3A_3 = tpu.memref_slice %arg5[%dma_start3A] : memref<25600xi32, #tpu.memory_space<vmem>> -> memref<320xi32, #tpu.memory_space<vmem>>
    %dma_start3A_4 = arith.constant 0 : i32
    %dma_start3A_5 = arith.constant 0 : i32
    %dma_start3A_6 = tpu.memref_slice %arg3[%dma_start3A_4, %dma_start3A_5] : memref<1000000x64xf32, #tpu.memory_space<hbm>> -> memref<1000000x64xf32, #tpu.memory_space<hbm>>
    tpu.enqueue_indirect_dma source(%dma_start3A_6 : memref<1000000x64xf32, #tpu.memory_space<hbm>>) target(%arg6 : memref<320x64xf32, #tpu.memory_space<vmem>>) offsets(%dma_start3A_3 : memref<320xi32, #tpu.memory_space<vmem>>) semaphore(%arg10 : memref<!tpu.dma_semaphore, #tpu.memory_space<semaphore_mem>>)
    %dma_start3A_7 = arith.constant 320 : i32
    %dma_start3A_8 = tpu.memref_slice %arg5[%dma_start3A_7] : memref<25600xi32, #tpu.memory_space<vmem>> -> memref<320xi32, #tpu.memory_space<vmem>>
    %dma_start3A_9 = arith.constant 0 : i32
    %dma_start3A_10 = arith.constant 0 : i32
    %dma_start3A_11 = tpu.memref_slice %arg3[%dma_start3A_9, %dma_start3A_10] : memref<1000000x64xf32, #tpu.memory_space<hbm>> -> memref<1000000x64xf32, #tpu.memory_space<hbm>>
    tpu.enqueue_indirect_dma source(%dma_start3A_11 : memref<1000000x64xf32, #tpu.memory_space<hbm>>) target(%arg7 : memref<320x64xf32, #tpu.memory_space<vmem>>) offsets(%dma_start3A_8 : memref<320xi32, #tpu.memory_space<vmem>>) semaphore(%arg11 : memref<!tpu.dma_semaphore, #tpu.memory_space<semaphore_mem>>)
    %scan3A = arith.constant 0 : i32
    %scan3A_12 = arith.constant 40 : i32
    %scan3A_13 = arith.addi %scan3A, %scan3A_12 : i32
    %scan3A_14 = arith.constant 1 : i32
    scf.for %scan3A_37 = %scan3A to %scan3A_13 step %scan3A_14  : i32 {
      %mul3A_38 = arith.constant 2 : i32
      %mul3A_39 = arith.muli %scan3A_37, %mul3A_38 : i32
      %add3A_40 = arith.constant 0 : i32
      %add3A_41 = arith.addi %add3A_40, %mul3A_39 : i32
      %add3A_42 = arith.constant 0 : i32
      %add3A_43 = arith.addi %add3A_41, %add3A_42 : i32
      %mul3A_44 = arith.constant 320 : i32
      %mul3A_45 = arith.muli %add3A_43, %mul3A_44 : i32
      %dma_wait3A_46 = tpu.memref_slice %arg5[%mul3A_45] : memref<25600xi32, #tpu.memory_space<vmem>> -> memref<320xi32, #tpu.memory_space<vmem>>
      %dma_wait3A_47 = arith.constant 0 : i32
      %dma_wait3A_48 = arith.constant 0 : i32
      %dma_wait3A_49 = tpu.memref_slice %arg3[%dma_wait3A_47, %dma_wait3A_48] : memref<1000000x64xf32, #tpu.memory_space<hbm>> -> memref<1000000x64xf32, #tpu.memory_space<hbm>>
      tpu.wait_indirect_dma semaphore(%arg10 : memref<!tpu.dma_semaphore, #tpu.memory_space<semaphore_mem>>) src(%dma_wait3A_49 : memref<1000000x64xf32, #tpu.memory_space<hbm>>) dst(%arg6 : memref<320x64xf32, #tpu.memory_space<vmem>>)
      %ge3A = arith.constant 2 : i32
      %ge3A_50 = arith.cmpi sge, %add3A_41, %ge3A : i32
      %convert_element_type3A = arith.extui %ge3A_50 : i1 to i32
      %cond3A = arith.constant 0 : i32
      %cond3A_51 = arith.cmpi ne, %convert_element_type3A, %cond3A : i32
      scf.if %cond3A_51 {
        %sub3A = arith.constant 2 : i32
        %sub3A_103 = arith.subi %add3A_43, %sub3A : i32
        %mul3A_104 = arith.constant 320 : i32
        %mul3A_105 = arith.muli %sub3A_103, %mul3A_104 : i32
        %add3A_106 = arith.addi %mul3A_2, %mul3A_105 : i32
        %dma_wait3A_107 = arith.constant 0 : i32
        %dma_wait3A_108 = tpu.memref_slice %arg4[%add3A_106, %dma_wait3A_107] : memref<819200x64xf32, #tpu.memory_space<hbm>> -> memref<320x64xf32, #tpu.memory_space<hbm>>
        %dma_wait3A_109 = arith.constant 0 : i32
        %dma_wait3A_110 = tpu.memref_slice %arg4[%add3A_106, %dma_wait3A_109] : memref<819200x64xf32, #tpu.memory_space<hbm>> -> memref<320x64xf32, #tpu.memory_space<hbm>>
        tpu.wait_dma2 semaphore(%arg12 : memref<!tpu.dma_semaphore, #tpu.memory_space<semaphore_mem>>) src(%arg8 : memref<320x64xf32, #tpu.memory_space<vmem>>) dst(%dma_wait3A_110 : memref<320x64xf32, #tpu.memory_space<hbm>>)
      } else {
      }
      %parallel_loop3A = arith.constant 0 : i32
      %parallel_loop3A_52 = arith.constant 320 : i32
      %parallel_loop3A_53 = arith.constant 1 : i32
      scf.for %parallel_loop3A_103 = %parallel_loop3A to %parallel_loop3A_52 step %parallel_loop3A_53  : i32 {
        %parallel_loop3A_104 = arith.index_cast %parallel_loop3A_103 : i32 to index
        %parallel_loop3A_105 = arith.constant 0 : index
        %parallel_loop3A_106 = tpu.vector_load %arg6[%parallel_loop3A_104, %parallel_loop3A_105] {strides = array<i32>} : memref<320x64xf32, #tpu.memory_space<vmem>>, vector<1x16xf32>,
        %parallel_loop3A_107 = vector.shape_cast %parallel_loop3A_106 : vector<1x16xf32> to vector<16xf32>
        %parallel_loop3A_108 = arith.constant 8.000000e+00 : f32
        %parallel_loop3A_109 = vector.broadcast %parallel_loop3A_108 : f32 to vector<16xf32>
        %parallel_loop3A_110 = arith.mulf %parallel_loop3A_107, %parallel_loop3A_109 : vector<16xf32>
        %parallel_loop3A_111 = arith.index_cast %parallel_loop3A_103 : i32 to index
        %parallel_loop3A_112 = arith.constant 0 : index
        %parallel_loop3A_113 = tpu.vector_load %arg8[%parallel_loop3A_111, %parallel_loop3A_112] {strides = array<i32>} : memref<320x64xf32, #tpu.memory_space<vmem>>, vector<1x16xf32>,
        %parallel_loop3A_114 = vector.shape_cast %parallel_loop3A_113 : vector<1x16xf32> to vector<16xf32>
        %parallel_loop3A_115 = vector.shape_cast %parallel_loop3A_110 : vector<16xf32> to vector<1x16xf32>
        tpu.vector_store %arg8[%parallel_loop3A_111, %parallel_loop3A_112], %parallel_loop3A_115 {strides = array<i32>} : memref<320x64xf32, #tpu.memory_space<vmem>>, vector<1x16xf32>,
        %parallel_loop3A_116 = arith.index_cast %parallel_loop3A_103 : i32 to index
        %parallel_loop3A_117 = arith.constant 16 : index
        %parallel_loop3A_118 = tpu.vector_load %arg6[%parallel_loop3A_116, %parallel_loop3A_117] {strides = array<i32>} : memref<320x64xf32, #tpu.memory_space<vmem>>, vector<1x16xf32>,
        %parallel_loop3A_119 = vector.shape_cast %parallel_loop3A_118 : vector<1x16xf32> to vector<16xf32>
        %parallel_loop3A_120 = arith.constant 8.000000e+00 : f32
        %parallel_loop3A_121 = vector.broadcast %parallel_loop3A_120 : f32 to vector<16xf32>
        %parallel_loop3A_122 = arith.mulf %parallel_loop3A_119, %parallel_loop3A_121 : vector<16xf32>
        %parallel_loop3A_123 = arith.index_cast %parallel_loop3A_103 : i32 to index
        %parallel_loop3A_124 = arith.constant 16 : index
        %parallel_loop3A_125 = tpu.vector_load %arg8[%parallel_loop3A_123, %parallel_loop3A_124] {strides = array<i32>} : memref<320x64xf32, #tpu.memory_space<vmem>>, vector<1x16xf32>,
        %parallel_loop3A_126 = vector.shape_cast %parallel_loop3A_125 : vector<1x16xf32> to vector<16xf32>
        %parallel_loop3A_127 = vector.shape_cast %parallel_loop3A_122 : vector<16xf32> to vector<1x16xf32>
        tpu.vector_store %arg8[%parallel_loop3A_123, %parallel_loop3A_124], %parallel_loop3A_127 {strides = array<i32>} : memref<320x64xf32, #tpu.memory_space<vmem>>, vector<1x16xf32>,
        %parallel_loop3A_128 = arith.index_cast %parallel_loop3A_103 : i32 to index
        %parallel_loop3A_129 = arith.constant 32 : index
        %parallel_loop3A_130 = tpu.vector_load %arg6[%parallel_loop3A_128, %parallel_loop3A_129] {strides = array<i32>} : memref<320x64xf32, #tpu.memory_space<vmem>>, vector<1x16xf32>,
        %parallel_loop3A_131 = vector.shape_cast %parallel_loop3A_130 : vector<1x16xf32> to vector<16xf32>
        %parallel_loop3A_132 = arith.constant 8.000000e+00 : f32
        %parallel_loop3A_133 = vector.broadcast %parallel_loop3A_132 : f32 to vector<16xf32>
        %parallel_loop3A_134 = arith.mulf %parallel_loop3A_131, %parallel_loop3A_133 : vector<16xf32>
        %parallel_loop3A_135 = arith.index_cast %parallel_loop3A_103 : i32 to index
        %parallel_loop3A_136 = arith.constant 32 : index
        %parallel_loop3A_137 = tpu.vector_load %arg8[%parallel_loop3A_135, %parallel_loop3A_136] {strides = array<i32>} : memref<320x64xf32, #tpu.memory_space<vmem>>, vector<1x16xf32>,
        %parallel_loop3A_138 = vector.shape_cast %parallel_loop3A_137 : vector<1x16xf32> to vector<16xf32>
        %parallel_loop3A_139 = vector.shape_cast %parallel_loop3A_134 : vector<16xf32> to vector<1x16xf32>
        tpu.vector_store %arg8[%parallel_loop3A_135, %parallel_loop3A_136], %parallel_loop3A_139 {strides = array<i32>} : memref<320x64xf32, #tpu.memory_space<vmem>>, vector<1x16xf32>,
        %parallel_loop3A_140 = arith.index_cast %parallel_loop3A_103 : i32 to index
        %parallel_loop3A_141 = arith.constant 48 : index
        %parallel_loop3A_142 = tpu.vector_load %arg6[%parallel_loop3A_140, %parallel_loop3A_141] {strides = array<i32>} : memref<320x64xf32, #tpu.memory_space<vmem>>, vector<1x16xf32>,
        %parallel_loop3A_143 = vector.shape_cast %parallel_loop3A_142 : vector<1x16xf32> to vector<16xf32>
        %parallel_loop3A_144 = arith.constant 8.000000e+00 : f32
        %parallel_loop3A_145 = vector.broadcast %parallel_loop3A_144 : f32 to vector<16xf32>
        %parallel_loop3A_146 = arith.mulf %parallel_loop3A_143, %parallel_loop3A_145 : vector<16xf32>
        %parallel_loop3A_147 = arith.index_cast %parallel_loop3A_103 : i32 to index
        %parallel_loop3A_148 = arith.constant 48 : index
        %parallel_loop3A_149 = tpu.vector_load %arg8[%parallel_loop3A_147, %parallel_loop3A_148] {strides = array<i32>} : memref<320x64xf32, #tpu.memory_space<vmem>>, vector<1x16xf32>,
        %parallel_loop3A_150 = vector.shape_cast %parallel_loop3A_149 : vector<1x16xf32> to vector<16xf32>
        %parallel_loop3A_151 = vector.shape_cast %parallel_loop3A_146 : vector<16xf32> to vector<1x16xf32>
        tpu.vector_store %arg8[%parallel_loop3A_147, %parallel_loop3A_148], %parallel_loop3A_151 {strides = array<i32>} : memref<320x64xf32, #tpu.memory_space<vmem>>, vector<1x16xf32>,
      } {sc.loop_unroll_factor = 8 : i64, sc.parallel_access}
      %mul3A_54 = arith.constant 320 : i32
      %mul3A_55 = arith.muli %add3A_43, %mul3A_54 : i32
      %add3A_56 = arith.addi %mul3A_2, %mul3A_55 : i32
      %dma_start3A_57 = arith.constant 0 : i32
      %dma_start3A_58 = tpu.memref_slice %arg4[%add3A_56, %dma_start3A_57] : memref<819200x64xf32, #tpu.memory_space<hbm>> -> memref<320x64xf32, #tpu.memory_space<hbm>>
      %dma_start3A_59 = arith.constant 0 : i32
      %dma_start3A_60 = tpu.memref_slice %arg4[%add3A_56, %dma_start3A_59] : memref<819200x64xf32, #tpu.memory_space<hbm>> -> memref<320x64xf32, #tpu.memory_space<hbm>>
      tpu.enqueue_dma source(%arg8 : memref<320x64xf32, #tpu.memory_space<vmem>>) target(%dma_start3A_60 : memref<320x64xf32, #tpu.memory_space<hbm>>) target_semaphore(%arg12 : memref<!tpu.dma_semaphore, #tpu.memory_space<semaphore_mem>>)
      %add3A_61 = arith.constant 2 : i32
      %add3A_62 = arith.addi %add3A_43, %add3A_61 : i32
      %min3A = arith.constant 79 : i32
      %min3A_63 = arith.minsi %add3A_62, %min3A : i32
      %mul3A_64 = arith.constant 320 : i32
      %mul3A_65 = arith.muli %min3A_63, %mul3A_64 : i32
      %dma_start3A_66 = tpu.memref_slice %arg5[%mul3A_65] : memref<25600xi32, #tpu.memory_space<vmem>> -> memref<320xi32, #tpu.memory_space<vmem>>
      %dma_start3A_67 = arith.constant 0 : i32
      %dma_start3A_68 = arith.constant 0 : i32
      %dma_start3A_69 = tpu.memref_slice %arg3[%dma_start3A_67, %dma_start3A_68] : memref<1000000x64xf32, #tpu.memory_space<hbm>> -> memref<1000000x64xf32, #tpu.memory_space<hbm>>
      tpu.enqueue_indirect_dma source(%dma_start3A_69 : memref<1000000x64xf32, #tpu.memory_space<hbm>>) target(%arg6 : memref<320x64xf32, #tpu.memory_space<vmem>>) offsets(%dma_start3A_66 : memref<320xi32, #tpu.memory_space<vmem>>) semaphore(%arg10 : memref<!tpu.dma_semaphore, #tpu.memory_space<semaphore_mem>>)
      %add3A_70 = arith.constant 1 : i32
      %add3A_71 = arith.addi %add3A_41, %add3A_70 : i32
      %mul3A_72 = arith.constant 320 : i32
      %mul3A_73 = arith.muli %add3A_71, %mul3A_72 : i32
      %dma_wait3A_74 = tpu.memref_slice %arg5[%mul3A_73] : memref<25600xi32, #tpu.memory_space<vmem>> -> memref<320xi32, #tpu.memory_space<vmem>>
      %dma_wait3A_75 = arith.constant 0 : i32
      %dma_wait3A_76 = arith.constant 0 : i32
      %dma_wait3A_77 = tpu.memref_slice %arg3[%dma_wait3A_75, %dma_wait3A_76] : memref<1000000x64xf32, #tpu.memory_space<hbm>> -> memref<1000000x64xf32, #tpu.memory_space<hbm>>
      tpu.wait_indirect_dma semaphore(%arg11 : memref<!tpu.dma_semaphore, #tpu.memory_space<semaphore_mem>>) src(%dma_wait3A_77 : memref<1000000x64xf32, #tpu.memory_space<hbm>>) dst(%arg7 : memref<320x64xf32, #tpu.memory_space<vmem>>)
      %ge3A_78 = arith.constant 2 : i32
      %ge3A_79 = arith.cmpi sge, %add3A_41, %ge3A_78 : i32
      %convert_element_type3A_80 = arith.extui %ge3A_79 : i1 to i32
      %cond3A_81 = arith.constant 0 : i32
      %cond3A_82 = arith.cmpi ne, %convert_element_type3A_80, %cond3A_81 : i32
      scf.if %cond3A_82 {
        %sub3A = arith.constant 2 : i32
        %sub3A_103 = arith.subi %add3A_71, %sub3A : i32
        %mul3A_104 = arith.constant 320 : i32
        %mul3A_105 = arith.muli %sub3A_103, %mul3A_104 : i32
        %add3A_106 = arith.addi %mul3A_2, %mul3A_105 : i32
        %dma_wait3A_107 = arith.constant 0 : i32
        %dma_wait3A_108 = tpu.memref_slice %arg4[%add3A_106, %dma_wait3A_107] : memref<819200x64xf32, #tpu.memory_space<hbm>> -> memref<320x64xf32, #tpu.memory_space<hbm>>
        %dma_wait3A_109 = arith.constant 0 : i32
        %dma_wait3A_110 = tpu.memref_slice %arg4[%add3A_106, %dma_wait3A_109] : memref<819200x64xf32, #tpu.memory_space<hbm>> -> memref<320x64xf32, #tpu.memory_space<hbm>>
        tpu.wait_dma2 semaphore(%arg13 : memref<!tpu.dma_semaphore, #tpu.memory_space<semaphore_mem>>) src(%arg9 : memref<320x64xf32, #tpu.memory_space<vmem>>) dst(%dma_wait3A_110 : memref<320x64xf32, #tpu.memory_space<hbm>>)
      } else {
      }
      %parallel_loop3A_83 = arith.constant 0 : i32
      %parallel_loop3A_84 = arith.constant 320 : i32
      %parallel_loop3A_85 = arith.constant 1 : i32
      scf.for %parallel_loop3A_103 = %parallel_loop3A_83 to %parallel_loop3A_84 step %parallel_loop3A_85  : i32 {
        %parallel_loop3A_104 = arith.index_cast %parallel_loop3A_103 : i32 to index
        %parallel_loop3A_105 = arith.constant 0 : index
        %parallel_loop3A_106 = tpu.vector_load %arg7[%parallel_loop3A_104, %parallel_loop3A_105] {strides = array<i32>} : memref<320x64xf32, #tpu.memory_space<vmem>>, vector<1x16xf32>,
        %parallel_loop3A_107 = vector.shape_cast %parallel_loop3A_106 : vector<1x16xf32> to vector<16xf32>
        %parallel_loop3A_108 = arith.constant 8.000000e+00 : f32
        %parallel_loop3A_109 = vector.broadcast %parallel_loop3A_108 : f32 to vector<16xf32>
        %parallel_loop3A_110 = arith.mulf %parallel_loop3A_107, %parallel_loop3A_109 : vector<16xf32>
        %parallel_loop3A_111 = arith.index_cast %parallel_loop3A_103 : i32 to index
        %parallel_loop3A_112 = arith.constant 0 : index
        %parallel_loop3A_113 = tpu.vector_load %arg9[%parallel_loop3A_111, %parallel_loop3A_112] {strides = array<i32>} : memref<320x64xf32, #tpu.memory_space<vmem>>, vector<1x16xf32>,
        %parallel_loop3A_114 = vector.shape_cast %parallel_loop3A_113 : vector<1x16xf32> to vector<16xf32>
        %parallel_loop3A_115 = vector.shape_cast %parallel_loop3A_110 : vector<16xf32> to vector<1x16xf32>
        tpu.vector_store %arg9[%parallel_loop3A_111, %parallel_loop3A_112], %parallel_loop3A_115 {strides = array<i32>} : memref<320x64xf32, #tpu.memory_space<vmem>>, vector<1x16xf32>,
        %parallel_loop3A_116 = arith.index_cast %parallel_loop3A_103 : i32 to index
        %parallel_loop3A_117 = arith.constant 16 : index
        %parallel_loop3A_118 = tpu.vector_load %arg7[%parallel_loop3A_116, %parallel_loop3A_117] {strides = array<i32>} : memref<320x64xf32, #tpu.memory_space<vmem>>, vector<1x16xf32>,
        %parallel_loop3A_119 = vector.shape_cast %parallel_loop3A_118 : vector<1x16xf32> to vector<16xf32>
        %parallel_loop3A_120 = arith.constant 8.000000e+00 : f32
        %parallel_loop3A_121 = vector.broadcast %parallel_loop3A_120 : f32 to vector<16xf32>
        %parallel_loop3A_122 = arith.mulf %parallel_loop3A_119, %parallel_loop3A_121 : vector<16xf32>
        %parallel_loop3A_123 = arith.index_cast %parallel_loop3A_103 : i32 to index
        %parallel_loop3A_124 = arith.constant 16 : index
        %parallel_loop3A_125 = tpu.vector_load %arg9[%parallel_loop3A_123, %parallel_loop3A_124] {strides = array<i32>} : memref<320x64xf32, #tpu.memory_space<vmem>>, vector<1x16xf32>,
        %parallel_loop3A_126 = vector.shape_cast %parallel_loop3A_125 : vector<1x16xf32> to vector<16xf32>
        %parallel_loop3A_127 = vector.shape_cast %parallel_loop3A_122 : vector<16xf32> to vector<1x16xf32>
        tpu.vector_store %arg9[%parallel_loop3A_123, %parallel_loop3A_124], %parallel_loop3A_127 {strides = array<i32>} : memref<320x64xf32, #tpu.memory_space<vmem>>, vector<1x16xf32>,
        %parallel_loop3A_128 = arith.index_cast %parallel_loop3A_103 : i32 to index
        %parallel_loop3A_129 = arith.constant 32 : index
        %parallel_loop3A_130 = tpu.vector_load %arg7[%parallel_loop3A_128, %parallel_loop3A_129] {strides = array<i32>} : memref<320x64xf32, #tpu.memory_space<vmem>>, vector<1x16xf32>,
        %parallel_loop3A_131 = vector.shape_cast %parallel_loop3A_130 : vector<1x16xf32> to vector<16xf32>
        %parallel_loop3A_132 = arith.constant 8.000000e+00 : f32
        %parallel_loop3A_133 = vector.broadcast %parallel_loop3A_132 : f32 to vector<16xf32>
        %parallel_loop3A_134 = arith.mulf %parallel_loop3A_131, %parallel_loop3A_133 : vector<16xf32>
        %parallel_loop3A_135 = arith.index_cast %parallel_loop3A_103 : i32 to index
        %parallel_loop3A_136 = arith.constant 32 : index
        %parallel_loop3A_137 = tpu.vector_load %arg9[%parallel_loop3A_135, %parallel_loop3A_136] {strides = array<i32>} : memref<320x64xf32, #tpu.memory_space<vmem>>, vector<1x16xf32>,
        %parallel_loop3A_138 = vector.shape_cast %parallel_loop3A_137 : vector<1x16xf32> to vector<16xf32>
        %parallel_loop3A_139 = vector.shape_cast %parallel_loop3A_134 : vector<16xf32> to vector<1x16xf32>
        tpu.vector_store %arg9[%parallel_loop3A_135, %parallel_loop3A_136], %parallel_loop3A_139 {strides = array<i32>} : memref<320x64xf32, #tpu.memory_space<vmem>>, vector<1x16xf32>,
        %parallel_loop3A_140 = arith.index_cast %parallel_loop3A_103 : i32 to index
        %parallel_loop3A_141 = arith.constant 48 : index
        %parallel_loop3A_142 = tpu.vector_load %arg7[%parallel_loop3A_140, %parallel_loop3A_141] {strides = array<i32>} : memref<320x64xf32, #tpu.memory_space<vmem>>, vector<1x16xf32>,
        %parallel_loop3A_143 = vector.shape_cast %parallel_loop3A_142 : vector<1x16xf32> to vector<16xf32>
        %parallel_loop3A_144 = arith.constant 8.000000e+00 : f32
        %parallel_loop3A_145 = vector.broadcast %parallel_loop3A_144 : f32 to vector<16xf32>
        %parallel_loop3A_146 = arith.mulf %parallel_loop3A_143, %parallel_loop3A_145 : vector<16xf32>
        %parallel_loop3A_147 = arith.index_cast %parallel_loop3A_103 : i32 to index
        %parallel_loop3A_148 = arith.constant 48 : index
        %parallel_loop3A_149 = tpu.vector_load %arg9[%parallel_loop3A_147, %parallel_loop3A_148] {strides = array<i32>} : memref<320x64xf32, #tpu.memory_space<vmem>>, vector<1x16xf32>,
        %parallel_loop3A_150 = vector.shape_cast %parallel_loop3A_149 : vector<1x16xf32> to vector<16xf32>
        %parallel_loop3A_151 = vector.shape_cast %parallel_loop3A_146 : vector<16xf32> to vector<1x16xf32>
        tpu.vector_store %arg9[%parallel_loop3A_147, %parallel_loop3A_148], %parallel_loop3A_151 {strides = array<i32>} : memref<320x64xf32, #tpu.memory_space<vmem>>, vector<1x16xf32>,
      } {sc.loop_unroll_factor = 8 : i64, sc.parallel_access}
      %mul3A_86 = arith.constant 320 : i32
      %mul3A_87 = arith.muli %add3A_71, %mul3A_86 : i32
      %add3A_88 = arith.addi %mul3A_2, %mul3A_87 : i32
      %dma_start3A_89 = arith.constant 0 : i32
      %dma_start3A_90 = tpu.memref_slice %arg4[%add3A_88, %dma_start3A_89] : memref<819200x64xf32, #tpu.memory_space<hbm>> -> memref<320x64xf32, #tpu.memory_space<hbm>>
      %dma_start3A_91 = arith.constant 0 : i32
      %dma_start3A_92 = tpu.memref_slice %arg4[%add3A_88, %dma_start3A_91] : memref<819200x64xf32, #tpu.memory_space<hbm>> -> memref<320x64xf32, #tpu.memory_space<hbm>>
      tpu.enqueue_dma source(%arg9 : memref<320x64xf32, #tpu.memory_space<vmem>>) target(%dma_start3A_92 : memref<320x64xf32, #tpu.memory_space<hbm>>) target_semaphore(%arg13 : memref<!tpu.dma_semaphore, #tpu.memory_space<semaphore_mem>>)
      %add3A_93 = arith.constant 2 : i32
      %add3A_94 = arith.addi %add3A_71, %add3A_93 : i32
      %min3A_95 = arith.constant 79 : i32
      %min3A_96 = arith.minsi %add3A_94, %min3A_95 : i32
      %mul3A_97 = arith.constant 320 : i32
      %mul3A_98 = arith.muli %min3A_96, %mul3A_97 : i32
      %dma_start3A_99 = tpu.memref_slice %arg5[%mul3A_98] : memref<25600xi32, #tpu.memory_space<vmem>> -> memref<320xi32, #tpu.memory_space<vmem>>
      %dma_start3A_100 = arith.constant 0 : i32
      %dma_start3A_101 = arith.constant 0 : i32
      %dma_start3A_102 = tpu.memref_slice %arg3[%dma_start3A_100, %dma_start3A_101] : memref<1000000x64xf32, #tpu.memory_space<hbm>> -> memref<1000000x64xf32, #tpu.memory_space<hbm>>
      tpu.enqueue_indirect_dma source(%dma_start3A_102 : memref<1000000x64xf32, #tpu.memory_space<hbm>>) target(%arg7 : memref<320x64xf32, #tpu.memory_space<vmem>>) offsets(%dma_start3A_99 : memref<320xi32, #tpu.memory_space<vmem>>) semaphore(%arg11 : memref<!tpu.dma_semaphore, #tpu.memory_space<semaphore_mem>>)
    }
    %scan3A_15 = arith.constant 40 : i32
    %add3A_16 = arith.constant 24960 : i32
    %add3A_17 = arith.addi %mul3A_2, %add3A_16 : i32
    %dma_wait3A = arith.constant 0 : i32
    %dma_wait3A_18 = tpu.memref_slice %arg4[%add3A_17, %dma_wait3A] : memref<819200x64xf32, #tpu.memory_space<hbm>> -> memref<320x64xf32, #tpu.memory_space<hbm>>
    %dma_wait3A_19 = arith.constant 0 : i32
    %dma_wait3A_20 = tpu.memref_slice %arg4[%add3A_17, %dma_wait3A_19] : memref<819200x64xf32, #tpu.memory_space<hbm>> -> memref<320x64xf32, #tpu.memory_space<hbm>>
    tpu.wait_dma2 semaphore(%arg12 : memref<!tpu.dma_semaphore, #tpu.memory_space<semaphore_mem>>) src(%arg8 : memref<320x64xf32, #tpu.memory_space<vmem>>) dst(%dma_wait3A_20 : memref<320x64xf32, #tpu.memory_space<hbm>>)
    %dma_wait3A_21 = arith.constant 24960 : i32
    %dma_wait3A_22 = tpu.memref_slice %arg5[%dma_wait3A_21] : memref<25600xi32, #tpu.memory_space<vmem>> -> memref<320xi32, #tpu.memory_space<vmem>>
    %dma_wait3A_23 = arith.constant 0 : i32
    %dma_wait3A_24 = arith.constant 0 : i32
    %dma_wait3A_25 = tpu.memref_slice %arg3[%dma_wait3A_23, %dma_wait3A_24] : memref<1000000x64xf32, #tpu.memory_space<hbm>> -> memref<1000000x64xf32, #tpu.memory_space<hbm>>
    tpu.wait_indirect_dma semaphore(%arg10 : memref<!tpu.dma_semaphore, #tpu.memory_space<semaphore_mem>>) src(%dma_wait3A_25 : memref<1000000x64xf32, #tpu.memory_space<hbm>>) dst(%arg6 : memref<320x64xf32, #tpu.memory_space<vmem>>)
    %add3A_26 = arith.constant 25280 : i32
    %add3A_27 = arith.addi %mul3A_2, %add3A_26 : i32
    %dma_wait3A_28 = arith.constant 0 : i32
    %dma_wait3A_29 = tpu.memref_slice %arg4[%add3A_27, %dma_wait3A_28] : memref<819200x64xf32, #tpu.memory_space<hbm>> -> memref<320x64xf32, #tpu.memory_space<hbm>>
    %dma_wait3A_30 = arith.constant 0 : i32
    %dma_wait3A_31 = tpu.memref_slice %arg4[%add3A_27, %dma_wait3A_30] : memref<819200x64xf32, #tpu.memory_space<hbm>> -> memref<320x64xf32, #tpu.memory_space<hbm>>
    tpu.wait_dma2 semaphore(%arg13 : memref<!tpu.dma_semaphore, #tpu.memory_space<semaphore_mem>>) src(%arg9 : memref<320x64xf32, #tpu.memory_space<vmem>>) dst(%dma_wait3A_31 : memref<320x64xf32, #tpu.memory_space<hbm>>)
    %dma_wait3A_32 = arith.constant 25280 : i32
    %dma_wait3A_33 = tpu.memref_slice %arg5[%dma_wait3A_32] : memref<25600xi32, #tpu.memory_space<vmem>> -> memref<320xi32, #tpu.memory_space<vmem>>
    %dma_wait3A_34 = arith.constant 0 : i32
    %dma_wait3A_35 = arith.constant 0 : i32
    %dma_wait3A_36 = tpu.memref_slice %arg3[%dma_wait3A_34, %dma_wait3A_35] : memref<1000000x64xf32, #tpu.memory_space<hbm>> -> memref<1000000x64xf32, #tpu.memory_space<hbm>>
    tpu.wait_indirect_dma semaphore(%arg11 : memref<!tpu.dma_semaphore, #tpu.memory_space<semaphore_mem>>) src(%dma_wait3A_36 : memref<1000000x64xf32, #tpu.memory_space<hbm>>) dst(%arg7 : memref<320x64xf32, #tpu.memory_space<vmem>>)
    return
  }
}

</mosaic_0001>

<sc_bundles>
// kernel: _embed.3.cloned.1.call-start
scs
__scs_entry_jumppad:
0x0: {  	(pc) =	sbr.rel $0x88, $3  }
0x1: {  	(tag) =	ssettag $0x0;
	lr =	simm.s32 $0x1  }
0x2: {  	[smem:$0x3F9F] =	sst lr;
	_ =	strace $0xD0000000  }
0x3: {  	_ = 	snop  }
0x4: {  	_ = 	snop  }
0x5: {  	_ = 	snop  }
0x6: {  	_ = 	snop  }
0x7: {  	_ = 	snop  }
__scs_overlays_trampoline_lowered:
0x8: {  	[smem:$0x3FAE] =	sst s0  }
0x9: {  	[smem:$0x3FAF] =	sst s1  }
0xa: {  	[smem:$0x3FB0] =	sst s2  }
0xb: {  	[smem:$0x3FB1] =	sst s3  }
0xc: {  	[smem:$0x3FB2] =	sst s4  }
0xd: {  	[smem:$0x3FB3] =	sst s5  }
0xe: {  	[smem:$0x3FB4] =	sst s6  }
0xf: {  	[smem:$0x3FB5] =	sst s7  }
0x10: {  	[smem:$0x3FB6] =	sst s8  }
0x11: {  	[smem:$0x3FB7] =	sst s9;
	s0 =	simm.s32 @!p0 $0x0  }
0x12: {  	s1 =	sld [smem:$0x3F9D];
	s0 =	simm.s32 @p0 $0x1  }
0x13: {  	[smem:$0x3FB8] =	sst s0;
	s0 =	simm.s32 @!p1 $0x0  }
0x14: {  	s2 =	sld [smem:$0x3F9C];
	s0 =	simm.s32 @p1 $0x1  }
0x15: {  	[smem:$0x3FB9] =	sst s0;
	s0 =	simm.s32 @!p2 $0x0  }
0x16: {  	s3 =	sld [smem:$0x3FDB];
	s0 =	simm.s32 @p2 $0x1  }
0x17: {  	s4 =	simm.s32 $0x1BF5;
	[smem:$0x3FBB] =	sst s0  }
0x18: {  	s0 =	sld [smem:$0x3F9E];
	_ =	swait.ge [sflag:s4], $0x0  }
0x19: {  	s7 =	sld [smem:$0x3F9F]  }
0x1a: {  	s8 =	sadd.s32 $0xFFFFE003, lr  }
0x1b: {  	s9 =	sadd.s32 $0xFFFFFEF7, lr;
	s5 =	simm.s32 $0xFFFFFFFF;
	p2 =	slt.u32 s8, $0xFFFFF086  }
0x1c: {  	p1 =	slt.u32 s9, $0xF7A;
	s5 =	simm.s32 @!p2 $0x0  }
0x1d: {  	s5 =	simm.s32 @p1 $0x1;
	p0 =	seq.s32 s7, s2  }
0x1e: {  	s7 =	smul.u32 @!p0 $0xF7A, s2;
	p2 =	seq.s32 @!p0 s5, $0x0  }
0x1f: {  	s9 =	smul.u32 $0xF7A, s1;
	s8 =	simm.s32 @!p0 $0x1BF5;
	p2 =	por !p2, p0  }
0x20: {  	[sflag:s8] =	ssyncset.s32 @!p0 $0xFFFFF086;
	s6 =	sadd.s32 @!p0 s3, s7;
	s7 =	simm.s32 @!p0 $0x108  }
0x21: {  	s3 =	sadd.s32 s3, s9;
	s6 =	sadd.s32 @!p0 $0x88, s6;
	s7 =	simm.s32 @p2 $0x1082  }
0x22: {  	[simem:s7], [sflag:s8] =	dma.local @!p0 [hbm:s6], $0xF7A  }
0x23: {  	s9 =	sor.u32 $0xD0000000, s2;
	s6 =	simm.s32 $0x108;
	_ =	swait.ge @!p0 [sflag:s8], $0x0  }
0x24: {  	s3 =	sadd.s32 $0x88, s3;
	s6 =	simm.s32 @!p1 $0x1082;
	[sflag:s4] =	ssyncset.s32 $0xFFFFF086  }
0x25: {  	[simem:s6], [sflag:s4] =	dma.local [hbm:s3], $0xF7A  }
0x26: {  	[smem:$0x3F9F] =	sst s1;
	(tag) =	ssettag s2;
	_ =	strace s9  }
0x27: {  	s1 =	sld [smem:$0x3FAF]  }
0x28: {  	s2 =	sld [smem:$0x3FB0]  }
0x29: {  	s4 =	sld [smem:$0x3FB2]  }
0x2a: {  	p0 =	seq.s32 s5, $0x0;
	s5 =	sld [smem:$0x3FB3]  }
0x2b: {  	s6 =	sld [smem:$0x3FB4]  }
0x2c: {  	s7 =	sld [smem:$0x3FB5]  }
0x2d: {  	s3 =	simm.s32 $0x108;
	s8 =	sld [smem:$0x3FB6]  }
0x2e: {  	s3 =	simm.s32 @!p0 $0x1082;
	s9 =	sld [smem:$0x3FB7]  }
0x2f: {  	lr =	sadd.s32 s0, s3;
	s0 =	sld [smem:$0x3FAE]  }
0x30: {  	s3 =	sld [smem:$0x3FB1]  }
0x31: {  	[smem:$0x3FBA] =	sst s10  }
0x32: {  	s10 =	sld [smem:$0x3FB8];
	_ =	sdelay $0x3  }
0x33: {  	p0 =	seq.s32 s10, $0x1;
	s10 =	sld [smem:$0x3FBA];
	_ =	sdelay $0x3  }
0x34: {  	[smem:$0x3FBA] =	sst s10  }
0x35: {  	s10 =	sld [smem:$0x3FB9];
	_ =	sdelay $0x3  }
0x36: {  	p1 =	seq.s32 s10, $0x1;
	s10 =	sld [smem:$0x3FBA];
	_ =	sdelay $0x3  }
0x37: {  	[smem:$0x3FBA] =	sst s10  }
0x38: {  	s10 =	sld [smem:$0x3FBB]  }
0x39: {  	_ = 	snop;
	(pc) =	sbr.ind lr, $3  }
0x3a: {  	_ = 	snop  }
0x3b: {  	_ = 	snop  }
0x3c: {  	p2 =	seq.s32 s10, $0x1;
	s10 =	sld [smem:$0x3FBA]  }
0x3d: {  	_ =	shalt  }
0x3e: {  	_ =	shalt  }
0x3f: {  	_ =	shalt  }
0x40: {  	_ =	shalt  }
0x41: {  	_ =	shalt  }
0x42: {  	_ =	shalt  }
0x43: {  	_ =	shalt  }
0x44: {  	_ =	shalt  }
0x45: {  	_ =	shalt  }
0x46: {  	_ =	shalt  }
0x47: {  	_ =	shalt  }
0x48: {  	_ =	shalt  }
0x49: {  	_ =	shalt  }
0x4a: {  	_ =	shalt  }
0x4b: {  	_ =	shalt  }
0x4c: {  	_ =	shalt  }
0x4d: {  	_ =	shalt  }
0x4e: {  	_ =	shalt  }
0x4f: {  	_ =	shalt  }
0x50: {  	_ =	shalt  }
0x51: {  	_ =	shalt  }
0x52: {  	_ =	shalt  }
0x53: {  	_ =	shalt  }
0x54: {  	_ =	shalt  }
0x55: {  	_ =	shalt  }
0x56: {  	_ =	shalt  }
0x57: {  	_ =	shalt  }
0x58: {  	_ =	shalt  }
0x59: {  	_ =	shalt  }
0x5a: {  	_ =	shalt  }
0x5b: {  	_ =	shalt  }
0x5c: {  	_ =	shalt  }
0x5d: {  	_ =	shalt  }
0x5e: {  	_ =	shalt  }
0x5f: {  	_ =	shalt  }
0x60: {  	_ =	shalt  }
0x61: {  	_ =	shalt  }
0x62: {  	_ =	shalt  }
0x63: {  	_ =	shalt  }
0x64: {  	_ =	shalt  }
0x65: {  	_ =	shalt  }
0x66: {  	_ =	shalt  }
0x67: {  	_ =	shalt  }
0x68: {  	_ =	shalt  }
0x69: {  	_ =	shalt  }
0x6a: {  	_ =	shalt  }
0x6b: {  	_ =	shalt  }
0x6c: {  	_ =	shalt  }
0x6d: {  	_ =	shalt  }
0x6e: {  	_ =	shalt  }
0x6f: {  	_ =	shalt  }
0x70: {  	_ =	shalt  }
0x71: {  	_ =	shalt  }
0x72: {  	_ =	shalt  }
0x73: {  	_ =	shalt  }
0x74: {  	_ =	shalt  }
0x75: {  	_ =	shalt  }
0x76: {  	_ =	shalt  }
0x77: {  	_ =	shalt  }
0x78: {  	_ =	shalt  }
0x79: {  	_ =	shalt  }
0x7a: {  	_ =	shalt  }
0x7b: {  	_ =	shalt  }
0x7c: {  	_ =	shalt  }
0x7d: {  	_ =	shalt  }
0x7e: {  	_ =	shalt  }
0x7f: {  	_ =	shalt  }
0x80: {  	_ =	shalt  }
0x81: {  	_ =	shalt  }
0x82: {  	_ =	shalt  }
0x83: {  	_ =	shalt  }
0x84: {  	_ =	shalt  }
0x85: {  	_ =	shalt  }
0x86: {  	_ =	shalt  }
0x87: {  	_ =	shalt  }
.Lfunc_end0:
.L_simem_size_0:
called_computation.1_lowered:
.L_overlay_start_0:
0x88: {  	s2 =	sld [smem:$0x3FD9]  }
0x89: {  	s3 =	sld [smem:$0x3FFE];
	_ =	sdelay $0x1  }
0x8a: {  	s1 =	srdreg.scid  }
0x8b: {  	s0 =	sand.u32 $0x1, s1  }
0x8c: {  	s17 =	sshll.u32 s0, $0xA;
	s2 =	sadd.s32 s3, s2  }
0x8d: {  	s2 =	sadd.s32 s2, s17  }
0x8e: {  	[smem:$0x3FC6] =	sst s2  }
0x8f: {  	_ = 	snop  }
0x90: {  	s2 =	sld [smem:$0x3FC9]  }
0x91: {  	s18 =	sld [smem:$0x3FD0];
	(tm) =	ssettm $0x1  }
0x92: {  	s4 =	sld [smem:$0x3FFB];
	_ =	sdelay $0x3  }
0x93: {  	_ =	strace s4  }
0x94: {  	s4 =	sld [smem:$0x3FFC];
	_ =	sdelay $0x3  }
0x95: {  	_ =	strace s4  }
0x96: {  	s4 =	sld [smem:$0x3FFD];
	_ =	sdelay $0x3  }
0x97: {  	_ =	strace s4  }
0x98: {  	_ =	strace $0x8FFFFFFF  }
0x99: {  	s19 =	sld [smem:$0x3FDB];
	_ =	sdelay $0x1  }
0x9a: {  	s5 =	simm.s32 $_scs_section_size  }
0x9b: {  	s6 =	simm.s32 $_size__tile_overlayer_lowered;
	s7 =	simm.s32 $_tile_overlayer_lowered  }
0x9c: {  	s22 =	simm.s32 $0x1BFF;
	s21 =	sshll.u32 s7, $0x1;
	s4 =	sadd.s32 s5, s19  }
0x9d: {  	s8 =	simm.s32 $0x0;
	s20 =	sshll.u32 s6, $0x1;
	s6 =	sadd.s32 s21, s4  }
0x9e: {  	[timem:s8], [sflag:s22] =	dma.local [hbm:s6], s20  }
0x9f: {  	_ =	swait.ge [sflag:s22], s20  }
0xa0: {  	s5 =	ssub.s32 $0x0, s20;
	[sflag:s22] =	ssyncset.done $0x0  }
0xa1: {  	[sflag:s22] =	ssyncadd.s32 s5;
	_ =	sdelay $0x1  }
0xa2: {  	s23 =	simm.s32 $0x1B8B  }
0xa3: {  	_ =	swait.ge [sflag:s23], $0x1  }
0xa4: {  	[sflag:s23] =	ssyncset.done $0x0  }
0xa5: {  	s25 =	simm.s32 $0x1B8E;
	s24 =	sld [smem:$0x3FFE];
	[sflag:s23] =	ssyncadd.s32 $0xFFFFFFFF  }
0xa6: {  	s26 =	simm.s32 $execute0_lowered;
	[smem:$0x3FD2] =	sst s25  }
0xa7: {  	s6 =	sshll.u32 s26, $0x1;
	_ =	strace $0x80000046;
	[dreg:$0x1] =	wrdreg $0xFFFFFFFF  }
0xa8: {  	s28 =	simm.s32 $_size_execute0_lowered;
	s4 =	sadd.s32 s4, s6;
	[dreg:$0x0] =	wrdreg $0x0  }
0xa9: {  	s6 =	sshll.u32 s28, $0x1;
	[dreg:$0x2] =	wrdreg s4  }
0xaa: {  	[dreg:$0x3] =	wrdreg s6  }
0xab: {  	[dreg:$0x4] =	wrdreg $0xC0  }
0xac: {  	_ =	task [dreg:s8], $0x5FFFF  }
0xad: {  	[dreg:$0x1] =	wrdreg $0xFFFFFFFF  }
0xae: {  	[dreg:$0x0] =	wrdreg $0x60  }
0xaf: {  	[dreg:$0x2] =	wrdreg s2  }
0xb0: {  	[dreg:$0x3] =	wrdreg s24  }
0xb1: {  	[dreg:$0x4] =	wrdreg s18  }
0xb2: {  	[dreg:$0x5] =	wrdreg $0x9  }
0xb3: {  	_ =	task.clear_ibuf [dreg:s8], $0x6FFFF;
	_ =	strace $0x90000046  }
0xb4: {  	s29 =	simm.s32 $0x9;
	_ =	strace $0x80000048  }
0xb5: {  	_ =	swait.ge [sflag:s29], $0x1  }
0xb6: {  	[sflag:s29] =	ssyncadd.s32 $0xFFFFFFFF  }
0xb7: {  	_ =	strace $0x90000048  }
0xb8: {  	_ =	sfence  }
0xb9: {  	s30 =	sld [smem:$0x0];
	_ =	sdelay $0x2  }
0xba: {  	s31 =	sshll.u32 s1, $0xD;
	s1 =	sshrl.u32 s1, $0x2  }
0xbb: {  	s3 =	sand.u32 $0x4000, s31;
	s1 =	sadd.s32 s1, s30  }
0xbc: {  	s0 =	sor.u32 s3, s0;
	s1 =	sshll.u32 s1, $0x11  }
0xbd: {  	s0 =	sor.u32 s1, s0  }
0xbe: {  	s0 =	sadd.s32 $0x8F2B, s0  }
0xbf: {  	[sflag:s0] =	ssyncadd.remote.s32 $0x1  }
0xc0: {  	_ =	sfence.sel $0xFFFF  }
0xc1: {  	[dreg:$0x0] =	wrdreg $0xFFFFFFFF;
	(pc) =	sbr.abs _section_cstart, $3  }
0xc2: {  	[dreg:$0x1] =	wrdreg $0xFFFFFFFF  }
0xc3: {  	_ =	task.clear_ibuf [dreg:s8], $0x2FFFF;
	_ =	strace $0x9FFFFFFF  }
0xc4: {  	(tm) =	ssettm $0x7FFFFFFF  }
0xc5: {  	_ =	shalt  }
tec
execute0_lowered:
.L_overlay_start_1:
0x0: {  	(tag) =	ssettag $0x1  }
0x1: {  	s6 =	rddreg [dreg:$0x0]  }
0x2: {  	s5 =	rddreg [dreg:$0x1];
	s1 =	srdreg.scid  }
0x3: {  	s0 =	stileid.u32;
	s2 =	rddreg [dreg:$0x2]  }
0x4: {  	s3 =	simm.s32 $0x0;
	s10 =	simm.s32 $0x140;
	s11 =	simm.s32 $0x6400  }
0x5: {  	s12 =	simm.s32 $0xB400;
	s13 =	simm.s32 $0x1;
	s14 =	simm.s32 $0x10400  }
0x6: {  	s15 =	simm.s32 $0x2;
	s16 =	simm.s32 $0x15400;
	s17 =	simm.s32 $0x3  }
0x7: {  	s18 =	simm.s32 $0x4;
	s7 =	sand.u32 $0x1, s1;
	s4 =	sshll.u32 s0, $0x1  }
0x8: {  	s19 =	simm.s32 $0x0;
	s1 =	rddreg [dreg:$0x3];
	s4 =	sor.u32 s7, s4  }
0x9: {  	[smem:$0x7FF] =	sst s3;
	s7 =	ssub.s32 $0x2, s7;
	s4 =	smul.u32 $0x6400, s4  }
0xa: {  	s5 =	sadd.s32 $0xF42C00, s5;
	_ =	strace $0x80000047;
	s8 =	sshrl.u32 s7, $0x1  }
0xb: {  	s8 =	ssub.s32 s7, s8;
	s9 =	sshrl.u32 s4, $0x3;
	s7 =	sor.u32 $0x140, s4  }
0xc: {  	s8 =	smax.u32 s8, $0x1;
	s6 =	sadd.s32 s6, s9;
	s9 =	simm.s32 $0x5  }
.LBB2_1:
0xd: {  	[tilespmem:s3], [sflag:$0x5] =	stream.linear.gather [hbm4b:s6+s3], $0x6400, $0x38;
	[tilespmem:$0x1A400] =	vst v63  }
0xe: {  	_ =	swait.ge [sflag:s9], $0x6400  }
0xf: {  	[sflag:s9] =	ssyncset.done $0x0  }
0x10: {  	[sflag:s9] =	ssyncadd.s32 $0xFFFF9C00  }
0x11: {  	[tilespmem:s11], [sflag:$0x1] =	stream.indirect.gather [hbm4b:s5+s10], $0x40, s3, s10, $0xb8;
	[tilespmem:$0x1A400] =	vst v63  }
0x12: {  	s20 =	simm.s32 $0x0  }
0x13: {  	[tilespmem:s12], [sflag:$0x2] =	stream.indirect.gather [hbm4b:s5+s10], $0x40, s10, s10, $0xb8;
	[tilespmem:$0x1A400] =	vst v63  }
.LBB2_2:
0x14: {  	_ =	swait.ge [sflag:s13], $0x5000  }
0x15: {  	p0 =	seq.s32 s20, $0x0;
	[sflag:s13] =	ssyncset.done $0x0  }
0x16: {  	s21 =	simm.s32 @!p0 $0x3;
	[sflag:s13] =	ssyncadd.s32 $0xFFFFB000  }
0x17: {  	_ =	swait.ge @!p0 [sflag:s21], $0x5000  }
0x18: {  	[sflag:s21] =	ssyncset.done @!p0 $0x0  }
0x19: {  	s24 =	simm.s32 $0x6500;
	[sflag:s21] =	ssyncadd.s32 @!p0 $0xFFFFB000  }
0x1a: {  	v0 =	vld [tilespmem:s24+$0xC0]  }
0x1b: {  	v1 =	vld [tilespmem:s24+$0xFFFFFF40]  }
0x1c: {  	v2 =	vld [tilespmem:s24+$0xFFFFFF80]  }
0x1d: {  	v3 =	vld [tilespmem:s24+$0xFFFFFFC0]  }
0x1e: {  	v4 =	vld [tilespmem:s24+$0x0]  }
0x1f: {  	v5 =	vld [tilespmem:s24+$0x40];
	v0 =	vmul.f32 $8.000000000e+00, v0  }
0x20: {  	s23 =	simm.s32 $0x10500;
	v6 =	vld [tilespmem:s24+$0x80];
	v1 =	vmul.f32 $8.000000000e+00, v1  }
0x21: {  	v7 =	vld [tilespmem:s24+$0xFFFFFF00];
	v2 =	vmul.f32 $8.000000000e+00, v2;
	[tilespmem:s23+$0xC0] =	vst v0  }
0x22: {  	[tilespmem:s23+$0xFFFFFF40] =	vst v1;
	v0 =	vmul.f32 $8.000000000e+00, v3;
	v1 =	vld [tilespmem:s24+$0xD0]  }
0x23: {  	[tilespmem:s23+$0xFFFFFF80] =	vst v2;
	v2 =	vmul.f32 $8.000000000e+00, v4;
	v3 =	vld [tilespmem:s24+$0xFFFFFF50]  }
0x24: {  	v4 =	vld [tilespmem:s24+$0xFFFFFF90];
	[tilespmem:s23+$0xFFFFFFC0] =	vst v0;
	v0 =	vmul.f32 $8.000000000e+00, v5  }
0x25: {  	[tilespmem:s23+$0x0] =	vst v2;
	v2 =	vmul.f32 $8.000000000e+00, v6;
	v5 =	vld [tilespmem:s24+$0xFFFFFFD0]  }
0x26: {  	v6 =	vmul.f32 $8.000000000e+00, v7;
	v7 =	vld [tilespmem:s24+$0x10];
	[tilespmem:s23+$0x40] =	vst v0  }
0x27: {  	[tilespmem:s23+$0x80] =	vst v2;
	v0 =	vld [tilespmem:s24+$0x50];
	v1 =	vmul.f32 $8.000000000e+00, v1  }
0x28: {  	[tilespmem:s23+$0xFFFFFF00] =	vst v6;
	v2 =	vmul.f32 $8.000000000e+00, v3;
	v3 =	vld [tilespmem:s24+$0x90]  }
0x29: {  	v6 =	vld [tilespmem:s24+$0xFFFFFF10];
	v4 =	vmul.f32 $8.000000000e+00, v4;
	[tilespmem:s23+$0xD0] =	vst v1  }
0x2a: {  	[tilespmem:s23+$0xFFFFFF50] =	vst v2;
	v1 =	vmul.f32 $8.000000000e+00, v5;
	v2 =	vld [tilespmem:s24+$0xE0]  }
0x2b: {  	[tilespmem:s23+$0xFFFFFF90] =	vst v4;
	v4 =	vmul.f32 $8.000000000e+00, v7;
	v5 =	vld [tilespmem:s24+$0xFFFFFF60]  }
0x2c: {  	v7 =	vld [tilespmem:s24+$0xFFFFFFA0];
	[tilespmem:s23+$0xFFFFFFD0] =	vst v1;
	v0 =	vmul.f32 $8.000000000e+00, v0  }
0x2d: {  	[tilespmem:s23+$0x10] =	vst v4;
	v1 =	vld [tilespmem:s24+$0xFFFFFFE0];
	v3 =	vmul.f32 $8.000000000e+00, v3  }
0x2e: {  	v4 =	vmul.f32 $8.000000000e+00, v6;
	v6 =	vld [tilespmem:s24+$0x20];
	[tilespmem:s23+$0x50] =	vst v0  }
0x2f: {  	v0 =	vld [tilespmem:s24+$0x60];
	[tilespmem:s23+$0x90] =	vst v3;
	v2 =	vmul.f32 $8.000000000e+00, v2  }
0x30: {  	[tilespmem:s23+$0xFFFFFF10] =	vst v4;
	v3 =	vmul.f32 $8.000000000e+00, v5;
	v4 =	vld [tilespmem:s24+$0xA0]  }
0x31: {  	v5 =	vld [tilespmem:s24+$0xFFFFFF20];
	v7 =	vmul.f32 $8.000000000e+00, v7;
	[tilespmem:s23+$0xE0] =	vst v2  }
0x32: {  	[tilespmem:s23+$0xFFFFFF60] =	vst v3;
	v1 =	vmul.f32 $8.000000000e+00, v1;
	v3 =	vld [tilespmem:s24+$0xF0]  }
0x33: {  	[tilespmem:s23+$0xFFFFFFA0] =	vst v7;
	v2 =	vmul.f32 $8.000000000e+00, v6;
	v8 =	vld [tilespmem:s24+$0xFFFFFF70]  }
0x34: {  	v7 =	vld [tilespmem:s24+$0xFFFFFFB0];
	[tilespmem:s23+$0xFFFFFFE0] =	vst v1;
	v1 =	vmul.f32 $8.000000000e+00, v0  }
0x35: {  	[tilespmem:s23+$0x20] =	vst v2;
	v0 =	vld [tilespmem:s24+$0xFFFFFFF0];
	v4 =	vmul.f32 $8.000000000e+00, v4  }
0x36: {  	v5 =	vmul.f32 $8.000000000e+00, v5;
	v2 =	vld [tilespmem:s24+$0x30];
	[tilespmem:s23+$0x60] =	vst v1  }
0x37: {  	v1 =	vld [tilespmem:s24+$0x70];
	[tilespmem:s23+$0xA0] =	vst v4;
	v9 =	vmul.f32 $8.000000000e+00, v3  }
0x38: {  	[tilespmem:s23+$0xFFFFFF20] =	vst v5;
	v3 =	vld [tilespmem:s24+$0xB0];
	v6 =	vmul.f32 $8.000000000e+00, v8  }
0x39: {  	s22 =	simm.s32 $0x0;
	s21 =	sshll.u32 s20, $0x1;
	v4 =	vld [tilespmem:s24+$0xFFFFFF30];
	v5 =	vmul.f32 $8.000000000e+00, v7;
	s24 =	simm.s32 $0x6700;
	[tilespmem:s23+$0xF0] =	vst v9  }
.LBB2_3:
0x3a: {  	v7 =	vld [tilespmem:s24+$0xC0];
	s22 =	sadd.s32 $0x8, s22;
	[tilespmem:s23+$0xFFFFFF70] =	vst v6;
	v0 =	vmul.f32 $8.000000000e+00, v0  }
0x3b: {  	v6 =	vld [tilespmem:s24+$0xFFFFFF40];
	p1 =	slt.u32 s22, $0x138;
	[tilespmem:s23+$0xFFFFFFB0] =	vst v5;
	v2 =	vmul.f32 $8.000000000e+00, v2  }
0x3c: {  	v5 =	vld [tilespmem:s24+$0xFFFFFF80];
	[tilespmem:s23+$0xFFFFFFF0] =	vst v0;
	v0 =	vmul.f32 $8.000000000e+00, v1  }
0x3d: {  	v1 =	vld [tilespmem:s24+$0xFFFFFFC0];
	[tilespmem:s23+$0x30] =	vst v2;
	v2 =	vmul.f32 $8.000000000e+00, v3  }
0x3e: {  	v3 =	vld [tilespmem:s24+$0x0];
	v4 =	vmul.f32 $8.000000000e+00, v4;
	[tilespmem:s23+$0x70] =	vst v0  }
0x3f: {  	v0 =	vld [tilespmem:s24+$0x40];
	v7 =	vmul.f32 $8.000000000e+00, v7;
	[tilespmem:s23+$0xB0] =	vst v2  }
0x40: {  	v2 =	vmul.f32 $8.000000000e+00, v6;
	v6 =	vld [tilespmem:s24+$0x80];
	[tilespmem:s23+$0xFFFFFF30] =	vst v4;
	s23 =	sadd.s32 $0x200, s23  }
0x41: {  	v4 =	vld [tilespmem:s24+$0xFFFFFF00];
	v5 =	vmul.f32 $8.000000000e+00, v5;
	[tilespmem:s23+$0xC0] =	vst v7  }
0x42: {  	[tilespmem:s23+$0xFFFFFF40] =	vst v2;
	v1 =	vmul.f32 $8.000000000e+00, v1;
	v2 =	vld [tilespmem:s24+$0xD0]  }
0x43: {  	v7 =	vld [tilespmem:s24+$0xFFFFFF50];
	[tilespmem:s23+$0xFFFFFF80] =	vst v5;
	v3 =	vmul.f32 $8.000000000e+00, v3  }
0x44: {  	v5 =	vld [tilespmem:s24+$0xFFFFFF90];
	[tilespmem:s23+$0xFFFFFFC0] =	vst v1;
	v0 =	vmul.f32 $8.000000000e+00, v0  }
0x45: {  	v1 =	vld [tilespmem:s24+$0xFFFFFFD0];
	[tilespmem:s23+$0x0] =	vst v3;
	v3 =	vmul.f32 $8.000000000e+00, v6  }
0x46: {  	v4 =	vmul.f32 $8.000000000e+00, v4;
	v6 =	vld [tilespmem:s24+$0x10];
	[tilespmem:s23+$0x40] =	vst v0  }
0x47: {  	v0 =	vld [tilespmem:s24+$0x50];
	[tilespmem:s23+$0x80] =	vst v3;
	v2 =	vmul.f32 $8.000000000e+00, v2  }
0x48: {  	[tilespmem:s23+$0xFFFFFF00] =	vst v4;
	v3 =	vmul.f32 $8.000000000e+00, v7;
	v4 =	vld [tilespmem:s24+$0x90]  }
0x49: {  	v7 =	vld [tilespmem:s24+$0xFFFFFF10];
	v5 =	vmul.f32 $8.000000000e+00, v5;
	[tilespmem:s23+$0xD0] =	vst v2  }
0x4a: {  	[tilespmem:s23+$0xFFFFFF50] =	vst v3;
	v1 =	vmul.f32 $8.000000000e+00, v1;
	v2 =	vld [tilespmem:s24+$0xE0]  }
0x4b: {  	v3 =	vld [tilespmem:s24+$0xFFFFFF60];
	[tilespmem:s23+$0xFFFFFF90] =	vst v5;
	v5 =	vmul.f32 $8.000000000e+00, v6  }
0x4c: {  	v6 =	vld [tilespmem:s24+$0xFFFFFFA0];
	[tilespmem:s23+$0xFFFFFFD0] =	vst v1;
	v0 =	vmul.f32 $8.000000000e+00, v0  }
0x4d: {  	v1 =	vld [tilespmem:s24+$0xFFFFFFE0];
	[tilespmem:s23+$0x10] =	vst v5;
	v4 =	vmul.f32 $8.000000000e+00, v4  }
0x4e: {  	v5 =	vmul.f32 $8.000000000e+00, v7;
	v7 =	vld [tilespmem:s24+$0x20];
	[tilespmem:s23+$0x50] =	vst v0  }
0x4f: {  	v0 =	vld [tilespmem:s24+$0x60];
	[tilespmem:s23+$0x90] =	vst v4;
	v2 =	vmul.f32 $8.000000000e+00, v2  }
0x50: {  	[tilespmem:s23+$0xFFFFFF10] =	vst v5;
	v3 =	vmul.f32 $8.000000000e+00, v3;
	v4 =	vld [tilespmem:s24+$0xA0]  }
0x51: {  	v5 =	vld [tilespmem:s24+$0xFFFFFF20];
	v6 =	vmul.f32 $8.000000000e+00, v6;
	[tilespmem:s23+$0xE0] =	vst v2  }
0x52: {  	[tilespmem:s23+$0xFFFFFF60] =	vst v3;
	v1 =	vmul.f32 $8.000000000e+00, v1;
	v3 =	vld [tilespmem:s24+$0xF0]  }
0x53: {  	v8 =	vld [tilespmem:s24+$0xFFFFFF70];
	[tilespmem:s23+$0xFFFFFFA0] =	vst v6;
	v2 =	vmul.f32 $8.000000000e+00, v7  }
0x54: {  	v7 =	vld [tilespmem:s24+$0xFFFFFFB0];
	[tilespmem:s23+$0xFFFFFFE0] =	vst v1;
	v1 =	vmul.f32 $8.000000000e+00, v0  }
.Ltmp0:
0x55: {  	v0 =	vld [tilespmem:s24+$0xFFFFFFF0];
	[tilespmem:s23+$0x20] =	vst v2;
	v4 =	vmul.f32 $8.000000000e+00, v4;
	(pc) =	sbr.rel @p1 .LBB2_3-.Ltmp0, $4  }
0x56: {  	v5 =	vmul.f32 $8.000000000e+00, v5;
	v2 =	vld [tilespmem:s24+$0x30];
	[tilespmem:s23+$0x60] =	vst v1  }
0x57: {  	v1 =	vld [tilespmem:s24+$0x70];
	[tilespmem:s23+$0xA0] =	vst v4;
	v9 =	vmul.f32 $8.000000000e+00, v3  }
0x58: {  	[tilespmem:s23+$0xFFFFFF20] =	vst v5;
	v6 =	vmul.f32 $8.000000000e+00, v8;
	v3 =	vld [tilespmem:s24+$0xB0]  }
0x59: {  	v4 =	vld [tilespmem:s24+$0xFFFFFF30];
	v5 =	vmul.f32 $8.000000000e+00, v7;
	[tilespmem:s23+$0xF0] =	vst v9;
	s24 =	sadd.s32 $0x200, s24  }
0x5a: {  	[tilespmem:s23+$0xFFFFFF70] =	vst v6;
	v0 =	vmul.f32 $8.000000000e+00, v0  }
0x5b: {  	[tilespmem:s23+$0xFFFFFFB0] =	vst v5;
	v2 =	vmul.f32 $8.000000000e+00, v2  }
0x5c: {  	s22 =	smul.u32 $0x280, s20;
	[tilespmem:s23+$0xFFFFFFF0] =	vst v0;
	v0 =	vmul.f32 $8.000000000e+00, v1  }
0x5d: {  	s25 =	smin.u32 s21, $0x4D;
	[tilespmem:s23+$0x30] =	vst v2;
	v1 =	vmul.f32 $8.000000000e+00, v3  }
0x5e: {  	s29 =	smul.u32 $0x500, s25;
	s24 =	sadd.s32 s4, s22;
	v2 =	vmul.f32 $8.000000000e+00, v4;
	[tilespmem:s23+$0x70] =	vst v0  }
0x5f: {  	s24 =	sshll.u32 s24, $0x3;
	[tilespmem:s23+$0xB0] =	vst v1  }
0x60: {  	s30 =	sshrl.u32 s29, $0x2;
	s28 =	sadd.s32 s2, s24;
	[tilespmem:s23+$0xFFFFFF30] =	vst v2  }
0x61: {  	[hbm4b:s28+s3] =	stream.linear.scatter [tilespmem:s14], [sflag:$0x3], $0x5000, $0x38;
	[tilespmem:$0x1A400] =	vst v63  }
0x62: {  	s23 =	sadd.s32 $0x280, s30  }
0x63: {  	[tilespmem:s11], [sflag:$0x1] =	stream.indirect.gather [hbm4b:s5+s10], $0x40, s23, s10, $0xb8;
	[tilespmem:$0x1A400] =	vst v63  }
0x64: {  	_ =	swait.ge [sflag:s15], $0x5000  }
0x65: {  	[sflag:s15] =	ssyncset.done $0x0  }
0x66: {  	s23 =	simm.s32 @!p0 $0x4;
	[sflag:s15] =	ssyncadd.s32 $0xFFFFB000  }
0x67: {  	_ =	swait.ge @!p0 [sflag:s23], $0x5000  }
0x68: {  	[sflag:s23] =	ssyncset.done @!p0 $0x0  }
0x69: {  	s31 =	simm.s32 $0xB500;
	[sflag:s23] =	ssyncadd.s32 @!p0 $0xFFFFB000  }
0x6a: {  	v0 =	vld [tilespmem:s31+$0xC0]  }
0x6b: {  	v1 =	vld [tilespmem:s31+$0xFFFFFF40]  }
0x6c: {  	v2 =	vld [tilespmem:s31+$0xFFFFFF80]  }
0x6d: {  	v3 =	vld [tilespmem:s31+$0xFFFFFFC0]  }
0x6e: {  	v4 =	vld [tilespmem:s31+$0x0]  }
0x6f: {  	v5 =	vld [tilespmem:s31+$0x40];
	v0 =	vmul.f32 $8.000000000e+00, v0  }
0x70: {  	s23 =	simm.s32 $0x15500;
	v6 =	vld [tilespmem:s31+$0x80];
	v1 =	vmul.f32 $8.000000000e+00, v1  }
0x71: {  	v7 =	vld [tilespmem:s31+$0xFFFFFF00];
	v2 =	vmul.f32 $8.000000000e+00, v2;
	[tilespmem:s23+$0xC0] =	vst v0  }
0x72: {  	[tilespmem:s23+$0xFFFFFF40] =	vst v1;
	v0 =	vmul.f32 $8.000000000e+00, v3;
	v1 =	vld [tilespmem:s31+$0xD0]  }
0x73: {  	[tilespmem:s23+$0xFFFFFF80] =	vst v2;
	v2 =	vmul.f32 $8.000000000e+00, v4;
	v3 =	vld [tilespmem:s31+$0xFFFFFF50]  }
0x74: {  	v4 =	vld [tilespmem:s31+$0xFFFFFF90];
	[tilespmem:s23+$0xFFFFFFC0] =	vst v0;
	v0 =	vmul.f32 $8.000000000e+00, v5  }
0x75: {  	[tilespmem:s23+$0x0] =	vst v2;
	v2 =	vmul.f32 $8.000000000e+00, v6;
	v5 =	vld [tilespmem:s31+$0xFFFFFFD0]  }
0x76: {  	v6 =	vmul.f32 $8.000000000e+00, v7;
	v7 =	vld [tilespmem:s31+$0x10];
	[tilespmem:s23+$0x40] =	vst v0  }
0x77: {  	[tilespmem:s23+$0x80] =	vst v2;
	v0 =	vld [tilespmem:s31+$0x50];
	v1 =	vmul.f32 $8.000000000e+00, v1  }
0x78: {  	[tilespmem:s23+$0xFFFFFF00] =	vst v6;
	v2 =	vmul.f32 $8.000000000e+00, v3;
	v3 =	vld [tilespmem:s31+$0x90]  }
0x79: {  	v6 =	vld [tilespmem:s31+$0xFFFFFF10];
	v4 =	vmul.f32 $8.000000000e+00, v4;
	[tilespmem:s23+$0xD0] =	vst v1  }
0x7a: {  	[tilespmem:s23+$0xFFFFFF50] =	vst v2;
	v1 =	vmul.f32 $8.000000000e+00, v5;
	v2 =	vld [tilespmem:s31+$0xE0]  }
0x7b: {  	[tilespmem:s23+$0xFFFFFF90] =	vst v4;
	v4 =	vmul.f32 $8.000000000e+00, v7;
	v5 =	vld [tilespmem:s31+$0xFFFFFF60]  }
0x7c: {  	v7 =	vld [tilespmem:s31+$0xFFFFFFA0];
	[tilespmem:s23+$0xFFFFFFD0] =	vst v1;
	v0 =	vmul.f32 $8.000000000e+00, v0  }
0x7d: {  	[tilespmem:s23+$0x10] =	vst v4;
	v1 =	vld [tilespmem:s31+$0xFFFFFFE0];
	v3 =	vmul.f32 $8.000000000e+00, v3  }
0x7e: {  	v4 =	vmul.f32 $8.000000000e+00, v6;
	v6 =	vld [tilespmem:s31+$0x20];
	[tilespmem:s23+$0x50] =	vst v0  }
0x7f: {  	v0 =	vld [tilespmem:s31+$0x60];
	[tilespmem:s23+$0x90] =	vst v3;
	v2 =	vmul.f32 $8.000000000e+00, v2  }
0x80: {  	[tilespmem:s23+$0xFFFFFF10] =	vst v4;
	v3 =	vmul.f32 $8.000000000e+00, v5;
	v4 =	vld [tilespmem:s31+$0xA0]  }
0x81: {  	v5 =	vld [tilespmem:s31+$0xFFFFFF20];
	v7 =	vmul.f32 $8.000000000e+00, v7;
	[tilespmem:s23+$0xE0] =	vst v2  }
0x82: {  	[tilespmem:s23+$0xFFFFFF60] =	vst v3;
	v1 =	vmul.f32 $8.000000000e+00, v1;
	v3 =	vld [tilespmem:s31+$0xF0]  }
0x83: {  	[tilespmem:s23+$0xFFFFFFA0] =	vst v7;
	v2 =	vmul.f32 $8.000000000e+00, v6;
	v8 =	vld [tilespmem:s31+$0xFFFFFF70]  }
0x84: {  	v7 =	vld [tilespmem:s31+$0xFFFFFFB0];
	[tilespmem:s23+$0xFFFFFFE0] =	vst v1;
	v1 =	vmul.f32 $8.000000000e+00, v0  }
0x85: {  	[tilespmem:s23+$0x20] =	vst v2;
	v0 =	vld [tilespmem:s31+$0xFFFFFFF0];
	v4 =	vmul.f32 $8.000000000e+00, v4  }
0x86: {  	v5 =	vmul.f32 $8.000000000e+00, v5;
	v2 =	vld [tilespmem:s31+$0x30];
	[tilespmem:s23+$0x60] =	vst v1  }
0x87: {  	v1 =	vld [tilespmem:s31+$0x70];
	[tilespmem:s23+$0xA0] =	vst v4;
	v9 =	vmul.f32 $8.000000000e+00, v3  }
0x88: {  	[tilespmem:s23+$0xFFFFFF20] =	vst v5;
	v3 =	vld [tilespmem:s31+$0xB0];
	v6 =	vmul.f32 $8.000000000e+00, v8  }
0x89: {  	s25 =	simm.s32 $0xB700;
	s24 =	simm.s32 $0x0;
	v4 =	vld [tilespmem:s31+$0xFFFFFF30];
	v5 =	vmul.f32 $8.000000000e+00, v7;
	[tilespmem:s23+$0xF0] =	vst v9  }
.LBB2_5:
0x8a: {  	v7 =	vld [tilespmem:s25+$0xC0];
	s24 =	sadd.s32 $0x8, s24;
	[tilespmem:s23+$0xFFFFFF70] =	vst v6;
	v0 =	vmul.f32 $8.000000000e+00, v0  }
0x8b: {  	v6 =	vld [tilespmem:s25+$0xFFFFFF40];
	p0 =	slt.u32 s24, $0x138;
	[tilespmem:s23+$0xFFFFFFB0] =	vst v5;
	v2 =	vmul.f32 $8.000000000e+00, v2  }
0x8c: {  	v5 =	vld [tilespmem:s25+$0xFFFFFF80];
	[tilespmem:s23+$0xFFFFFFF0] =	vst v0;
	v0 =	vmul.f32 $8.000000000e+00, v1  }
0x8d: {  	v1 =	vld [tilespmem:s25+$0xFFFFFFC0];
	[tilespmem:s23+$0x30] =	vst v2;
	v2 =	vmul.f32 $8.000000000e+00, v3  }
0x8e: {  	v3 =	vld [tilespmem:s25+$0x0];
	v4 =	vmul.f32 $8.000000000e+00, v4;
	[tilespmem:s23+$0x70] =	vst v0  }
0x8f: {  	v0 =	vld [tilespmem:s25+$0x40];
	v7 =	vmul.f32 $8.000000000e+00, v7;
	[tilespmem:s23+$0xB0] =	vst v2  }
0x90: {  	v2 =	vmul.f32 $8.000000000e+00, v6;
	v6 =	vld [tilespmem:s25+$0x80];
	[tilespmem:s23+$0xFFFFFF30] =	vst v4;
	s23 =	sadd.s32 $0x200, s23  }
0x91: {  	v4 =	vld [tilespmem:s25+$0xFFFFFF00];
	v5 =	vmul.f32 $8.000000000e+00, v5;
	[tilespmem:s23+$0xC0] =	vst v7  }
0x92: {  	[tilespmem:s23+$0xFFFFFF40] =	vst v2;
	v1 =	vmul.f32 $8.000000000e+00, v1;
	v2 =	vld [tilespmem:s25+$0xD0]  }
0x93: {  	v7 =	vld [tilespmem:s25+$0xFFFFFF50];
	[tilespmem:s23+$0xFFFFFF80] =	vst v5;
	v3 =	vmul.f32 $8.000000000e+00, v3  }
0x94: {  	v5 =	vld [tilespmem:s25+$0xFFFFFF90];
	[tilespmem:s23+$0xFFFFFFC0] =	vst v1;
	v0 =	vmul.f32 $8.000000000e+00, v0  }
0x95: {  	v1 =	vld [tilespmem:s25+$0xFFFFFFD0];
	[tilespmem:s23+$0x0] =	vst v3;
	v3 =	vmul.f32 $8.000000000e+00, v6  }
0x96: {  	v4 =	vmul.f32 $8.000000000e+00, v4;
	v6 =	vld [tilespmem:s25+$0x10];
	[tilespmem:s23+$0x40] =	vst v0  }
0x97: {  	v0 =	vld [tilespmem:s25+$0x50];
	[tilespmem:s23+$0x80] =	vst v3;
	v2 =	vmul.f32 $8.000000000e+00, v2  }
0x98: {  	[tilespmem:s23+$0xFFFFFF00] =	vst v4;
	v3 =	vmul.f32 $8.000000000e+00, v7;
	v4 =	vld [tilespmem:s25+$0x90]  }
0x99: {  	v7 =	vld [tilespmem:s25+$0xFFFFFF10];
	v5 =	vmul.f32 $8.000000000e+00, v5;
	[tilespmem:s23+$0xD0] =	vst v2  }
0x9a: {  	[tilespmem:s23+$0xFFFFFF50] =	vst v3;
	v1 =	vmul.f32 $8.000000000e+00, v1;
	v2 =	vld [tilespmem:s25+$0xE0]  }
0x9b: {  	v3 =	vld [tilespmem:s25+$0xFFFFFF60];
	[tilespmem:s23+$0xFFFFFF90] =	vst v5;
	v5 =	vmul.f32 $8.000000000e+00, v6  }
0x9c: {  	v6 =	vld [tilespmem:s25+$0xFFFFFFA0];
	[tilespmem:s23+$0xFFFFFFD0] =	vst v1;
	v0 =	vmul.f32 $8.000000000e+00, v0  }
0x9d: {  	v1 =	vld [tilespmem:s25+$0xFFFFFFE0];
	[tilespmem:s23+$0x10] =	vst v5;
	v4 =	vmul.f32 $8.000000000e+00, v4  }
0x9e: {  	v5 =	vmul.f32 $8.000000000e+00, v7;
	v7 =	vld [tilespmem:s25+$0x20];
	[tilespmem:s23+$0x50] =	vst v0  }
0x9f: {  	v0 =	vld [tilespmem:s25+$0x60];
	[tilespmem:s23+$0x90] =	vst v4;
	v2 =	vmul.f32 $8.000000000e+00, v2  }
0xa0: {  	[tilespmem:s23+$0xFFFFFF10] =	vst v5;
	v3 =	vmul.f32 $8.000000000e+00, v3;
	v4 =	vld [tilespmem:s25+$0xA0]  }
0xa1: {  	v5 =	vld [tilespmem:s25+$0xFFFFFF20];
	v6 =	vmul.f32 $8.000000000e+00, v6;
	[tilespmem:s23+$0xE0] =	vst v2  }
0xa2: {  	[tilespmem:s23+$0xFFFFFF60] =	vst v3;
	v1 =	vmul.f32 $8.000000000e+00, v1;
	v3 =	vld [tilespmem:s25+$0xF0]  }
0xa3: {  	v8 =	vld [tilespmem:s25+$0xFFFFFF70];
	[tilespmem:s23+$0xFFFFFFA0] =	vst v6;
	v2 =	vmul.f32 $8.000000000e+00, v7  }
0xa4: {  	v7 =	vld [tilespmem:s25+$0xFFFFFFB0];
	[tilespmem:s23+$0xFFFFFFE0] =	vst v1;
	v1 =	vmul.f32 $8.000000000e+00, v0  }
.Ltmp1:
0xa5: {  	v0 =	vld [tilespmem:s25+$0xFFFFFFF0];
	[tilespmem:s23+$0x20] =	vst v2;
	v4 =	vmul.f32 $8.000000000e+00, v4;
	(pc) =	sbr.rel @p0 .LBB2_5-.Ltmp1, $4  }
0xa6: {  	v5 =	vmul.f32 $8.000000000e+00, v5;
	v2 =	vld [tilespmem:s25+$0x30];
	[tilespmem:s23+$0x60] =	vst v1  }
0xa7: {  	v1 =	vld [tilespmem:s25+$0x70];
	[tilespmem:s23+$0xA0] =	vst v4;
	v9 =	vmul.f32 $8.000000000e+00, v3  }
0xa8: {  	[tilespmem:s23+$0xFFFFFF20] =	vst v5;
	v6 =	vmul.f32 $8.000000000e+00, v8;
	v3 =	vld [tilespmem:s25+$0xB0]  }
0xa9: {  	v4 =	vld [tilespmem:s25+$0xFFFFFF30];
	v5 =	vmul.f32 $8.000000000e+00, v7;
	[tilespmem:s23+$0xF0] =	vst v9;
	s25 =	sadd.s32 $0x200, s25  }
0xaa: {  	[tilespmem:s23+$0xFFFFFF70] =	vst v6;
	v0 =	vmul.f32 $8.000000000e+00, v0  }
0xab: {  	[tilespmem:s23+$0xFFFFFFB0] =	vst v5;
	v2 =	vmul.f32 $8.000000000e+00, v2  }
0xac: {  	[tilespmem:s23+$0xFFFFFFF0] =	vst v0;
	v61 =	vmul.f32 $8.000000000e+00, v1  }
0xad: {  	s22 =	sadd.s32 s22, s7;
	s21 =	smin.u32 s21, $0x4C;
	s20 =	sadd.s32 $0x1, s20;
	[tilespmem:s23+$0x30] =	vst v2;
	v62 =	vmul.f32 $8.000000000e+00, v3  }
0xae: {  	s22 =	sshll.u32 s22, $0x3;
	s21 =	smul.u32 $0x500, s21;
	p0 =	sne.s32 s20, $0x28;
	v63 =	vmul.f32 $8.000000000e+00, v4;
	[tilespmem:s23+$0x70] =	vst v61  }
.Ltmp2:
0xaf: {  	s22 =	sand.u32 $0x1FFFFE00, s22;
	[tilespmem:s23+$0xB0] =	vst v62;
	(pc) =	sbr.rel @p0 .LBB2_2-.Ltmp2, $4  }
0xb0: {  	s22 =	sadd.s32 s2, s22;
	s21 =	sshrl.u32 s21, $0x2;
	[tilespmem:s23+$0xFFFFFF30] =	vst v63  }
0xb1: {  	[hbm4b:s22+s3] =	stream.linear.scatter [tilespmem:s16], [sflag:$0x4], $0x5000, $0x38;
	[tilespmem:$0x1A400] =	vst v63  }
0xb2: {  	s21 =	sadd.s32 $0x3C0, s21  }
0xb3: {  	[tilespmem:s12], [sflag:$0x2] =	stream.indirect.gather [hbm4b:s5+s10], $0x40, s21, s10, $0xb8;
	[tilespmem:$0x1A400] =	vst v63  }
0xb4: {  	_ =	swait.ge [sflag:s17], $0x5000  }
0xb5: {  	[sflag:s17] =	ssyncset.done $0x0  }
0xb6: {  	[sflag:s17] =	ssyncadd.s32 $0xFFFFB000  }
0xb7: {  	_ =	swait.ge [sflag:s13], $0x5000  }
0xb8: {  	[sflag:s13] =	ssyncset.done $0x0  }
0xb9: {  	s19 =	sadd.s32 $0x1, s19;
	[sflag:s13] =	ssyncadd.s32 $0xFFFFB000  }
0xba: {  	p0 =	sne.s32 s19, s8;
	_ =	swait.ge [sflag:s18], $0x5000  }
.Ltmp3:
0xbb: {  	[sflag:s18] =	ssyncset.done $0x0;
	(pc) =	sbr.rel @p0 .LBB2_1-.Ltmp3, $4  }
0xbc: {  	[sflag:s18] =	ssyncadd.s32 $0xFFFFB000  }
0xbd: {  	_ =	swait.ge [sflag:s15], $0x5000  }
0xbe: {  	[sflag:s15] =	ssyncset.done $0x0  }
0xbf: {  	[sflag:s15] =	ssyncadd.s32 $0xFFFFB000  }
0xc0: {  	_ =	sfence.sel $0x180000  }
0xc1: {  	[bflag:$0x0] =	sbarrier.arrive $0xFFFF  }
0xc2: {  	p0 =	sne.s32 s0, $0x0;
	_ =	strace $0x90000047  }
0xc3: {  	s0 =	sadd.s32 @!p0 $0x100000, s1;
	[bflag:$0x2] =	sbarrier.arrive $0xFFFF  }
0xc4: {  	[sflag:s0] =	ssyncadd.tile.s32 @!p0 $0x1;
	_ =	shalt  }
.Lfunc_end2:
_tile_overlayer_lowered:
.L_overlay_start_2:
0xc5: {  	(tag) =	ssettag $0x2  }
0xc6: {  	s0 =	rddreg [dreg:$0x0];
	s2 =	stileid.u32  }
0xc7: {  	s1 =	rddreg [dreg:$0x1];
	p0 =	sne.s32 s2, $0x0  }
0xc8: {  	s3 =	rddreg [dreg:$0x2];
	[bflag:$0x3] =	sbarrier.arrive $0xFFFF;
	s2 =	simm.s32 @!p0 $0x1C05  }
0xc9: {  	[timem:s3], [sflag:s2] =	dma.local @!p0 [hbm:s0], s1  }
0xca: {  	s0 =	simm.s32 @!p0 $0x5  }
0xcb: {  	_ =	swait.ge @!p0 [sflag:s0], s1  }
0xcc: {  	s1 =	ssub.s32 @!p0 $0x0, s1;
	[sflag:s0] =	ssyncset.done @!p0 $0x0  }
0xcd: {  	[sflag:s0] =	ssyncadd.s32 @!p0 s1  }
0xce: {  	[bflag:$0x3] =	sbarrier.arrive $0xFFFF  }
0xcf: {  	_ =	shalt  }

// kernel: sparse-core-data-format-call.cloned.1.call-start
scs
called_computation_lowered:
.L_overlay_start_0:
0x0: {  	s2 =	sld [smem:$0x3FD9]  }
0x1: {  	s3 =	sld [smem:$0x3FFE];
	_ =	sdelay $0x1  }
0x2: {  	s1 =	srdreg.scid  }
0x3: {  	s0 =	sand.u32 $0x1, s1  }
0x4: {  	s18 =	sshll.u32 s0, $0xA;
	s2 =	sadd.s32 s3, s2  }
0x5: {  	s2 =	sadd.s32 s2, s18  }
0x6: {  	[smem:$0x3FC6] =	sst s2  }
0x7: {  	_ = 	snop  }
0x8: {  	s2 =	sld [smem:$0x3FD0];
	(tm) =	ssettm $0x1  }
0x9: {  	s19 =	sld [smem:$0x3FFB];
	_ =	sdelay $0x3  }
0xa: {  	_ =	strace s19  }
0xb: {  	s3 =	sld [smem:$0x3FFC];
	_ =	sdelay $0x3  }
0xc: {  	_ =	strace s3  }
0xd: {  	s3 =	sld [smem:$0x3FFD];
	_ =	sdelay $0x3  }
0xe: {  	_ =	strace s3  }
0xf: {  	_ =	strace $0x8FFFFFFF  }
0x10: {  	s20 =	sld [smem:$0x3FDB];
	_ =	sdelay $0x1  }
0x11: {  	s4 =	simm.s32 $_scs_section_size  }
0x12: {  	s5 =	simm.s32 $_size__tile_overlayer_lowered;
	s6 =	simm.s32 $_tile_overlayer_lowered  }
0x13: {  	s23 =	simm.s32 $0x1BFF;
	s22 =	sshll.u32 s6, $0x1;
	s3 =	sadd.s32 s4, s20  }
0x14: {  	s7 =	simm.s32 $0x0;
	s21 =	sshll.u32 s5, $0x1;
	s5 =	sadd.s32 s22, s3  }
0x15: {  	[timem:s7], [sflag:s23] =	dma.local [hbm:s5], s21  }
0x16: {  	_ =	swait.ge [sflag:s23], s21  }
0x17: {  	s4 =	ssub.s32 $0x0, s21;
	[sflag:s23] =	ssyncset.done $0x0  }
0x18: {  	[sflag:s23] =	ssyncadd.s32 s4;
	_ =	sdelay $0x1  }
0x19: {  	s24 =	simm.s32 $0x1B8B  }
0x1a: {  	_ =	swait.ge [sflag:s24], $0x1  }
0x1b: {  	[sflag:s24] =	ssyncset.done $0x0  }
0x1c: {  	s26 =	simm.s32 $0x1B8E;
	s25 =	sld [smem:$0x3FFE];
	[sflag:s24] =	ssyncadd.s32 $0xFFFFFFFF  }
0x1d: {  	s27 =	simm.s32 $execute0_lowered;
	[smem:$0x3FD2] =	sst s26  }
0x1e: {  	s5 =	sshll.u32 s27, $0x1;
	_ =	strace $0x80000049;
	[dreg:$0x1] =	wrdreg $0xFFFFFFFF  }
0x1f: {  	s28 =	simm.s32 $_size_execute0_lowered;
	s3 =	sadd.s32 s3, s5;
	[dreg:$0x0] =	wrdreg $0x0  }
0x20: {  	s5 =	sshll.u32 s28, $0x1;
	[dreg:$0x2] =	wrdreg s3  }
0x21: {  	[dreg:$0x3] =	wrdreg s5  }
0x22: {  	[dreg:$0x4] =	wrdreg $0xC0  }
0x23: {  	_ =	task [dreg:s7], $0x5FFFF  }
0x24: {  	[dreg:$0x1] =	wrdreg $0xFFFFFFFF  }
0x25: {  	[dreg:$0x0] =	wrdreg $0x60  }
0x26: {  	[dreg:$0x2] =	wrdreg s25  }
0x27: {  	[dreg:$0x3] =	wrdreg s2  }
0x28: {  	[dreg:$0x4] =	wrdreg $0x9  }
0x29: {  	_ =	task.clear_ibuf [dreg:s7], $0x5FFFF;
	_ =	strace $0x90000049  }
0x2a: {  	s29 =	simm.s32 $0x9;
	_ =	strace $0x8000004B  }
0x2b: {  	_ =	swait.ge [sflag:s29], $0x1  }
0x2c: {  	[sflag:s29] =	ssyncadd.s32 $0xFFFFFFFF  }
0x2d: {  	_ =	strace $0x9000004B  }
0x2e: {  	_ =	sfence  }
0x2f: {  	s30 =	sld [smem:$0x0];
	_ =	sdelay $0x2  }
0x30: {  	s31 =	sshll.u32 s1, $0xD;
	s1 =	sshrl.u32 s1, $0x2  }
0x31: {  	s3 =	sand.u32 $0x4000, s31;
	s1 =	sadd.s32 s1, s30  }
0x32: {  	s0 =	sor.u32 s3, s0;
	s1 =	sshll.u32 s1, $0x11  }
0x33: {  	s0 =	sor.u32 s1, s0  }
0x34: {  	s0 =	sadd.s32 $0x8F2B, s0  }
0x35: {  	[sflag:s0] =	ssyncadd.remote.s32 $0x1  }
0x36: {  	_ =	sfence.sel $0xFFFF  }
0x37: {  	[dreg:$0x0] =	wrdreg $0xFFFFFFFF;
	(pc) =	sbr.abs _section_cstart, $3  }
0x38: {  	[dreg:$0x1] =	wrdreg $0xFFFFFFFF  }
0x39: {  	_ =	task.clear_ibuf [dreg:s7], $0x2FFFF;
	_ =	strace $0x9FFFFFFF  }
0x3a: {  	(tm) =	ssettm $0x7FFFFFFF  }
0x3b: {  	_ =	shalt  }
tec
execute0_lowered:
.L_overlay_start_1:
0x0: {  	(tag) =	ssettag $0x1  }
0x1: {  	s0 =	srdreg.scid  }
0x2: {  	s1 =	sshll.u32 s0, $0x4  }
0x3: {  	s4 =	rddreg [dreg:$0x0];
	s0 =	stileid.u32;
	s1 =	sand.u32 $0x10, s1  }
0x4: {  	s2 =	rddreg [dreg:$0x1];
	s7 =	simm.s32 $0x1;
	s1 =	sor.u32 s0, s1  }
0x5: {  	s8 =	simm.s32 $0x2;
	s11 =	simm.s32 $0x0;
	s3 =	sshll.u32 s1, $0x7  }
0x6: {  	s10 =	simm.s32 $0x0;
	s4 =	sadd.s32 $0x800, s4;
	s6 =	ssub.s32 $0xC8000, s3  }
.Ltmp0:
0x7: {  	s1 =	rddreg [dreg:$0x2];
	s5 =	sand.u32 $0xF80, s6;
	(pc) =	sbr.rel .LBB1_1-.Ltmp0, $4  }
0x8: {  	_ =	strace $0x8000004A;
	s9 =	smov.u32 s3;
	p0 =	sne.s32 s5, $0x0  }
0x9: {  	s6 =	sshrl.u32 s6, $0xC;
	s5 =	simm.s32 $0x1;
	s7 =	simm.s32 @!p0 $0x0  }
0xa: {  	[sflag:s5] =	ssyncpa.u1 $0x0;
	p0 =	por $0x0, $0x0;
	s6 =	sadd.s32 s7, s6  }
0xb: {  	[sflag:s8] =	ssyncpa.u1 $0x0;
	s8 =	simm.s32 $0x640000;
	s7 =	sadd.s32 $0x1, s6  }
.LBB1_4:
0xc: {  	s14 =	sshll.u32 s11, $0x3  }
0xd: {  	s30 =	sand.u32 $0x7F, s11;
	s15 =	sand.u32 $0xFFFFFC00, s14  }
0xe: {  	s11 =	sor.u32 s30, s15  }
0xf: {  	s15 =	smulhi.u32 $0x51EB851F, s11  }
0x10: {  	s14 =	smulhi.u32 $0x51EB851F, s14  }
0x11: {  	s15 =	sshrl.u32 s15, $0x12  }
0x12: {  	s14 =	sshrl.u32 s14, $0x12;
	s15 =	smul.u32 $0xC8000, s15  }
0x13: {  	s14 =	sand.u32 $0x3F, s14  }
0x14: {  	s14 =	smul.u32 $0x19000, s14;
	s11 =	ssub.s32 s11, s15  }
0x15: {  	[tilespmem:s13+$0x810 ss:$0x81] =	vst.msk $0xffff, v2;
	s15 =	sand.u32 $0x7, s11  }
0x16: {  	[tilespmem:s13+$0x1020 ss:$0x81] =	vst.msk $0xffff, v0;
	s14 =	sadd.s32 s2, s14;
	s11 =	sshrl.u32 s11, $0x3;
	s15 =	sshll.u32 s15, $0x12  }
0x17: {  	[tilespmem:s13+$0x0 ss:$0x81] =	vst.msk $0xffff, v1;
	s11 =	sadd.s32 s11, s14;
	s31 =	sor.u32 $0x400, s15  }
0x18: {  	[hbm4b:s11+s31] =	stream.strided.scatter [tilespmem:s12], [sflag:$0x2], $0x2000, s8, s31, $0x20;
	[tilespmem:$0x8080] =	vst v63  }
.LBB1_5:
0x19: {  	s13 =	sadd.s32 $0x1000, s9  }
0x1a: {  	p2 =	sgt.s32 s13, $0xC7FFF  }
0x1b: {  	s13 =	smov.u32 @p2 s3;
	p2 =	sne.s32 s10, s7  }
.Ltmp1:
0x1c: {  	p1 =	slt.u32 s10, $0x2;
	(pc) =	sbr.rel @!p2 .LBB1_6-.Ltmp1, $4  }
0x1d: {  	s12 =	simm.s32 @!p1 $0x2  }
0x1e: {  	s14 =	sadd.s32 $0x1, s10;
	_ =	swait.ge @!p1 [sflag:s12], $0x2000  }
0x1f: {  	s11 =	smov.u32 s9;
	p0 =	por !p0, !p0;
	[sflag:s12] =	ssyncset.done @!p1 $0x0  }
0x20: {  	s10 =	smov.u32 s14;
	s9 =	smov.u32 s13;
	[sflag:s12] =	ssyncadd.s32 @!p1 $0xFFFFE000  }
.LBB1_1:
0x21: {  	p1 =	sge.u32 s10, s6  }
0x22: {  	s12 =	sand.u32 @!p1 $0x1FFFFFF, s9  }
0x23: {  	s13 =	smulhi.u32 @!p1 $0x147AE15, s12;
	_ =	sdelay $0x1  }
0x24: {  	s13 =	sshrl.u32 @!p1 s13, $0xC  }
0x25: {  	s13 =	smul.u32 @!p1 $0xC8000, s13;
	_ =	sdelay $0x1  }
0x26: {  	s31 =	sadd.s32 $0xFFFFFFFF, s10;
	s14 =	sxor.u32 @!p1 $0xFFFFFFFF, s10;
	s12 =	ssub.s32 @!p1 s12, s13  }
0x27: {  	s15 =	simm.s32 @!p1 $0x80;
	s14 =	sshll.u32 @!p1 s14, $0xD;
	s12 =	sshll.u32 @!p1 s12, $0x4  }
0x28: {  	s13 =	sand.u32 @!p1 $0x2000, s14;
	s14 =	simm.s32 @!p1 $0x40;
	s12 =	sadd.s32 @!p1 s4, s12  }
0x29: {  	[tilespmem:s13], [sflag:$0x1] =	stream.strided.gather @!p1 [hbm4b:s12+s14], $0x2000, s15, s14, $0x38;
	[tilespmem:$0x8080] =	vst v63  }
0x2a: {  	p1 =	sge.u32 s31, s6  }
.Ltmp2:
0x2b: {  	_ = 	snop;
	(pc) =	sbr.rel @p1 .LBB1_5-.Ltmp2, $1  }
0x2c: {  	_ =	sdelay $0x3  }
0x2d: {  	s12 =	simm.s32 $0x1  }
0x2e: {  	_ =	swait.ge [sflag:s5], $0x2000;
	s12 =	simm.s32 @!p0 $0x0  }
0x2f: {  	[sflag:s5] =	ssyncset.done $0x0;
	s13 =	sshll.u32 s12, $0xD  }
0x30: {  	[sflag:s5] =	ssyncadd.s32 $0xFFFFE000;
	s16 =	sor.u32 $0x20, s13  }
0x31: {  	s12 =	smul.u32 $0x8100, s12;
	v3 =	vld [tilespmem:s16+$0x10]  }
0x32: {  	s30 =	sand.u32 $0x1, s10;
	v2 =	vld [tilespmem:s16+$0xFFFFFFF0]  }
0x33: {  	s13 =	smul.u32 $0x8100, s30;
	s12 =	sshrl.u32 s12, $0x2;
	v0 =	vld [tilespmem:s16+$0x0]  }
0x34: {  	v1 =	vld [tilespmem:s16+$0xFFFFFFE0];
	s14 =	sor.u32 $0x4000, s12  }
0x35: {  	s31 =	sshrl.u32 s13, $0x2;
	s13 =	sadd.s32 $0x0, s14  }
0x36: {  	s15 =	simm.s32 $0x4;
	s16 =	sadd.s32 $0x40, s16;
	s12 =	sor.u32 $0x4000, s31;
	[tilespmem:s13+$0x1830 ss:$0x81] =	vst.msk $0xffff, v3  }
.LBB1_3:
0x37: {  	v3 =	vld [tilespmem:s16+$0x10];
	p1 =	sne.s32 s15, $0x1FC;
	[tilespmem:s13+$0x810 ss:$0x81] =	vst.msk $0xffff, v2;
	s17 =	smov.u32 s15;
	s15 =	sadd.s32 $0x4, s15  }
.Ltmp3:
0x38: {  	v2 =	vld [tilespmem:s16+$0xFFFFFFF0];
	[tilespmem:s13+$0x1020 ss:$0x81] =	vst.msk $0xffff, v0;
	(pc) =	sbr.rel @p1 .LBB1_3-.Ltmp3, $4  }
0x39: {  	v0 =	vld [tilespmem:s16+$0x0];
	[tilespmem:s13+$0x0 ss:$0x81] =	vst.msk $0xffff, v1  }
0x3a: {  	s13 =	sshra.s32 s17, $0x2;
	v1 =	vld [tilespmem:s16+$0xFFFFFFE0]  }
0x3b: {  	s13 =	sadd.s32 s13, s14  }
0x3c: {  	s16 =	sadd.s32 $0x40, s16;
	[tilespmem:s13+$0x1830 ss:$0x81] =	vst.msk $0xffff, v3  }
.Ltmp4:
0x3d: {  	_ = 	snop;
	(pc) =	sbr.rel .LBB1_4-.Ltmp4, $1  }
0x3e: {  	_ =	sdelay $0x3  }
.LBB1_6:
0x3f: {  	_ =	sfence.sel $0x180000  }
0x40: {  	s2 =	simm.s32 $0x1;
	[bflag:$0x0] =	sbarrier.arrive $0xFFFF  }
0x41: {  	s31 =	simm.s32 $0x2;
	[sflag:s2] =	ssyncpa.u1 $0x1  }
0x42: {  	[sflag:s31] =	ssyncpa.u1 $0x1  }
0x43: {  	p0 =	sne.s32 s0, $0x0;
	_ =	strace $0x9000004A  }
0x44: {  	s0 =	sadd.s32 @!p0 $0x100000, s1;
	[bflag:$0x2] =	sbarrier.arrive $0xFFFF  }
0x45: {  	[sflag:s0] =	ssyncadd.tile.s32 @!p0 $0x1;
	_ =	shalt  }
.Lfunc_end1:
_tile_overlayer_lowered:
.L_overlay_start_2:
0x46: {  	(tag) =	ssettag $0x2  }
0x47: {  	s0 =	rddreg [dreg:$0x0];
	s2 =	stileid.u32  }
0x48: {  	s1 =	rddreg [dreg:$0x1];
	p0 =	sne.s32 s2, $0x0  }
0x49: {  	s3 =	rddreg [dreg:$0x2];
	[bflag:$0x3] =	sbarrier.arrive $0xFFFF;
	s2 =	simm.s32 @!p0 $0x1C01  }
0x4a: {  	[timem:s3], [sflag:s2] =	dma.local @!p0 [hbm:s0], s1  }
0x4b: {  	s0 =	simm.s32 @!p0 $0x1  }
0x4c: {  	_ =	swait.ge @!p0 [sflag:s0], s1  }
0x4d: {  	s1 =	ssub.s32 @!p0 $0x0, s1;
	[sflag:s0] =	ssyncset.done @!p0 $0x0  }
0x4e: {  	[sflag:s0] =	ssyncadd.s32 @!p0 s1  }
0x4f: {  	[bflag:$0x3] =	sbarrier.arrive $0xFFFF  }
0x50: {  	_ =	shalt  }

</sc_bundles>
